<compile_context>
chip_gen: v7x
topology: tpu7x:2x2x1
jax: 0.10.2.dev20260603
libtpu: 0.0.44.dev20260713+nightly
codegen_flags: <defaults>
</compile_context>

<pallas_src>
import functools

import jax
import jax.numpy as jnp
from jax import lax
from jax.experimental import pallas as pl
from jax.experimental.pallas import tpu as pltpu
from jax.experimental.pallas import tpu_sc as plsc

N = 10000
IN_CH = 128
HID = 256
OUT = 10
E = 320000

CHUNK = 128
NSUB = 16
NCORE = 2
NW = NCORE * NSUB
EPAD = 327680
NPAD = 10112
DUMP = N
BM = 1000
NB = N // BM
CB = EPAD // (NW * CHUNK)
CB0 = 118
CB1 = 42
E0 = NSUB * CB0 * CHUNK
RSUB_PAD = NPAD // NSUB
RSUB_OUT = 632
RSUB_TAIL = N - 15 * RSUB_OUT


def _copy_out(acc_sh, out_hbm, c, s):
    @pl.when(s < NSUB - 1)
    def _():
        o0 = s * RSUB_OUT
        pltpu.sync_copy(acc_sh.at[pl.ds(o0, RSUB_OUT)],
                        out_hbm.at[pl.ds(c * N + o0, RSUB_OUT)])

    @pl.when(s == NSUB - 1)
    def _():
        o0 = (NSUB - 1) * RSUB_OUT
        pltpu.sync_copy(acc_sh.at[pl.ds(o0, RSUB_TAIL)],
                        out_hbm.at[pl.ds(c * N + o0, RSUB_TAIL)])


@functools.cache
def _vmesh():
    return plsc.VectorSubcoreMesh(core_axis_name="c", subcore_axis_name="s",
                                  num_cores=NCORE, num_subcores=NSUB)



def _sc_deg(dst_pad, ones128, z128):

    @functools.partial(
        pl.kernel,
        out_type=jax.ShapeDtypeStruct((2 * N, IN_CH), jnp.float32),
        mesh=_vmesh(),
        scratch_types=[
            pltpu.VMEM((1, CHUNK), jnp.int32),
            pltpu.VMEM((CHUNK, IN_CH), jnp.float32),
            pltpu.VMEM_SHARED((NPAD, IN_CH), jnp.float32),
        ],
    )
    def k(dst_hbm, ones_hbm, z_hbm, out_hbm, didx_v, ones_v, acc_sh):
        c = lax.axis_index("c")
        s = lax.axis_index("s")
        r0 = s * RSUB_PAD
        pltpu.sync_copy(z_hbm.at[pl.ds(r0, RSUB_PAD)],
                        acc_sh.at[pl.ds(r0, RSUB_PAD)])
        pltpu.sync_copy(ones_hbm, ones_v)
        plsc.subcore_barrier()
        base = (c * NSUB + s) * CB * CHUNK

        @pl.loop(0, CB)
        def _(i):
            pltpu.sync_copy(dst_hbm.at[pl.ds(base + i * CHUNK, CHUNK)],
                            didx_v.at[0])
            pltpu.sync_copy(ones_v, acc_sh.at[didx_v.at[0]], add=True)

        plsc.subcore_barrier()
        _copy_out(acc_sh, out_hbm, c, s)

    return k(dst_pad, ones128, z128)


def _sc_agg(table2, src_split, dst_pad, z128):

    @functools.partial(
        pl.kernel,
        out_type=jax.ShapeDtypeStruct((2 * N, IN_CH), jnp.float32),
        mesh=_vmesh(),
        scratch_types=[
            pltpu.VMEM((2, CHUNK), jnp.int32),
            pltpu.VMEM((2, CHUNK), jnp.int32),
            pltpu.VMEM((2, CHUNK, IN_CH), jnp.float32),
            pltpu.VMEM_SHARED((NPAD, IN_CH), jnp.float32),
            pltpu.SemaphoreType.DMA,
            pltpu.SemaphoreType.DMA,
        ],
    )
    def k(y_hbm, src_hbm, dst_hbm, z_hbm, out_hbm,
          sidx_v, didx_v, rows_v, acc_sh, sem0, sem1):
        c = lax.axis_index("c")
        s = lax.axis_index("s")
        r0 = s * RSUB_PAD
        pltpu.sync_copy(z_hbm.at[pl.ds(r0, RSUB_PAD)],
                        acc_sh.at[pl.ds(r0, RSUB_PAD)])
        plsc.subcore_barrier()
        cb = CB0 + c * (CB1 - CB0)
        base = (c * E0 + s * cb * CHUNK)
        sems = (sem0, sem1)

        pltpu.sync_copy(src_hbm.at[pl.ds(base, CHUNK)], sidx_v.at[0])
        pltpu.sync_copy(dst_hbm.at[pl.ds(base, CHUNK)], didx_v.at[0])
        pltpu.async_copy(y_hbm.at[sidx_v.at[0]], rows_v.at[0], sem0)

        @pl.loop(0, CB0 // 2)
        def _(j):
            for b in range(2):
                cur = 2 * j + b
                nb = 1 - b

                @pl.when(cur + 1 < cb)
                def _():
                    noff = base + (cur + 1) * CHUNK
                    pltpu.sync_copy(src_hbm.at[pl.ds(noff, CHUNK)],
                                    sidx_v.at[nb])
                    pltpu.sync_copy(dst_hbm.at[pl.ds(noff, CHUNK)],
                                    didx_v.at[nb])
                    pltpu.async_copy(y_hbm.at[sidx_v.at[nb]], rows_v.at[nb],
                                     sems[nb])

                @pl.when(cur < cb)
                def _():
                    pltpu.make_async_copy(y_hbm.at[sidx_v.at[b]],
                                          rows_v.at[b], sems[b]).wait()
                    pltpu.sync_copy(rows_v.at[b], acc_sh.at[didx_v.at[b]],
                                    add=True)

        plsc.subcore_barrier()
        _copy_out(acc_sh, out_hbm, c, s)

    return k(table2, src_split, dst_pad, z128)



def _dinv_block(dlo, dhi):
    deg = dlo[...][:, :1] + dhi[...][:, :1] + 1.0
    return lax.rsqrt(deg)


def _tc_scale(deg_part, x):

    def body(dlo, dhi, x_ref, o_ref):
        o_ref[...] = x_ref[...] * _dinv_block(dlo, dhi)

    return pl.pallas_call(
        body,
        grid=(2 * NB,),
        in_specs=[
            pl.BlockSpec((BM, IN_CH), lambda i: (i % NB, 0)),
            pl.BlockSpec((BM, IN_CH), lambda i: (i % NB + NB, 0)),
            pl.BlockSpec((BM, IN_CH), lambda i: (i % NB, 0)),
        ],
        out_specs=pl.BlockSpec((BM, IN_CH), lambda i: (i, 0)),
        out_shape=jax.ShapeDtypeStruct((2 * N, IN_CH), jnp.float32),
    )(deg_part, deg_part, x)


def _tc_layer12(deg_part, agg1_flat, g, W1, b1r, W2pad):

    def body(dlo, dhi, alo, ahi, g_ref, w1_ref, b_ref, w2_ref, o_ref):
        dinv = _dinv_block(dlo, dhi)
        t = alo[...] + ahi[...] + g_ref[...]
        xw1 = jnp.dot(t, w1_ref[...], preferred_element_type=jnp.float32)
        h = jnp.maximum(dinv * xw1 + b_ref[:1, :], 0.0)
        xw2 = jnp.dot(h, w2_ref[...], preferred_element_type=jnp.float32)
        o_ref[...] = dinv * xw2

    return pl.pallas_call(
        body,
        grid=(2 * NB,),
        in_specs=[
            pl.BlockSpec((BM, IN_CH), lambda i: (i % NB, 0)),
            pl.BlockSpec((BM, IN_CH), lambda i: (i % NB + NB, 0)),
            pl.BlockSpec((BM, IN_CH), lambda i: (i % NB, 0)),
            pl.BlockSpec((BM, IN_CH), lambda i: (i % NB + NB, 0)),
            pl.BlockSpec((BM, IN_CH), lambda i: (i % NB, 0)),
            pl.BlockSpec((IN_CH, HID), lambda i: (0, 0)),
            pl.BlockSpec((8, HID), lambda i: (0, 0)),
            pl.BlockSpec((HID, IN_CH), lambda i: (0, 0)),
        ],
        out_specs=pl.BlockSpec((BM, IN_CH), lambda i: (i, 0)),
        out_shape=jax.ShapeDtypeStruct((2 * N, IN_CH), jnp.float32),
    )(deg_part, deg_part, agg1_flat, agg1_flat, g, W1, b1r, W2pad)


def _tc_final(deg_part, agg2_flat, y2, b2r):

    def body(dlo, dhi, alo, ahi, y_ref, b_ref, o_ref):
        dinv = _dinv_block(dlo, dhi)
        o = dinv * (alo[...] + ahi[...] + y_ref[...]) + b_ref[:1, :]
        col = lax.broadcasted_iota(jnp.int32, o.shape, 1)
        om = jnp.where(col < OUT, o, -1e30)
        m = jnp.max(om, axis=1, keepdims=True)
        lse = jnp.log(jnp.sum(jnp.exp(om - m), axis=1, keepdims=True))
        o_ref[...] = o - m - lse

    return pl.pallas_call(
        body,
        grid=(NB,),
        in_specs=[
            pl.BlockSpec((BM, IN_CH), lambda i: (i, 0)),
            pl.BlockSpec((BM, IN_CH), lambda i: (i + NB, 0)),
            pl.BlockSpec((BM, IN_CH), lambda i: (i, 0)),
            pl.BlockSpec((BM, IN_CH), lambda i: (i + NB, 0)),
            pl.BlockSpec((BM, IN_CH), lambda i: (i, 0)),
            pl.BlockSpec((8, IN_CH), lambda i: (0, 0)),
        ],
        out_specs=pl.BlockSpec((BM, IN_CH), lambda i: (i, 0)),
        out_shape=jax.ShapeDtypeStruct((N, IN_CH), jnp.float32),
    )(deg_part, deg_part, agg2_flat, agg2_flat, y2, b2r)



def kernel(x, edge_index, W1, b1, W2, b2):
    ei = edge_index.astype(jnp.int32)
    src = ei[0]
    dst = ei[1]
    pad = EPAD - E
    src_pad = jnp.concatenate([src, jnp.zeros((pad,), jnp.int32)])
    pad_dst = DUMP + jnp.arange(pad, dtype=jnp.int32) % (NPAD - N)
    dst_pad = jnp.concatenate([dst, pad_dst])

    z128 = jnp.zeros((NPAD, IN_CH), jnp.float32)
    ones128 = jnp.ones((CHUNK, IN_CH), jnp.float32)
    b1r = jnp.broadcast_to(b1.reshape(1, HID), (8, HID))
    W2pad = jnp.zeros((HID, IN_CH), W2.dtype).at[:, :OUT].set(W2)
    b2r = jnp.broadcast_to(
        jnp.zeros((1, IN_CH), b2.dtype).at[0, :OUT].set(b2), (8, IN_CH))

    src_split = jnp.concatenate([src_pad[:E0], src_pad[E0:] + N])

    deg_part = _sc_deg(dst_pad, ones128, z128)
    g2 = _tc_scale(deg_part, x)
    agg1_flat = _sc_agg(g2, src_split, dst_pad, z128)
    y22 = _tc_layer12(deg_part, agg1_flat, g2, W1, b1r, W2pad)
    agg2_flat = _sc_agg(y22, src_split, dst_pad, z128)
    out128 = _tc_final(deg_part, agg2_flat, y22, b2r)
    return out128[:, :OUT]

# --- scband reference (transcript-rebuilt; emitter-appended) ---
"""Pipeline reference for scband-crime-gcn-23545010716740 (READ-ONLY COPY).

The authoritative reference and input builder live on the scoring server;
editing this copy changes nothing except your own understanding.
"""

import jax, jax.numpy as jnp
import numpy as np

N_NODES = 10000
IN_CH = 128
HID_CH = 256
OUT_CH = 10
N_EDGES = 320000


def gcn_conv(x, edge_index, W, b):
    # PyG GCNConv semantics: add self-loops, symmetric normalization
    num_nodes = x.shape[0]
    src = edge_index[0]
    dst = edge_index[1]
    loop = jnp.arange(num_nodes, dtype=src.dtype)
    src = jnp.concatenate([src, loop])
    dst = jnp.concatenate([dst, loop])
    ew = jnp.ones(src.shape[0], dtype=x.dtype)
    deg = jnp.zeros((num_nodes,), dtype=x.dtype).at[dst].add(ew)
    dinv = jnp.where(deg > 0, jax.lax.rsqrt(deg), 0.0)
    norm = dinv[src] * ew * dinv[dst]
    xw = x @ W
    msg = jnp.take(xw, src, axis=0) * norm[:, None]
    out = jnp.zeros((num_nodes, W.shape[1]), dtype=xw.dtype).at[dst].add(msg)
    return out + b


def setup_inputs(seed: int = 0) -> dict:
    key = jax.random.key(seed)
    k1, k2, k3, k4, k5, k6 = jax.random.split(key, 6)
    x = jax.random.normal(k1, (N_NODES, IN_CH), dtype=jnp.float32)
    edge_index = jax.random.randint(k2, (2, N_EDGES), 0, N_NODES, dtype=jnp.int64)
    # glorot-style init for GCN weights
    W1 = jax.random.normal(k3, (IN_CH, HID_CH), dtype=jnp.float32) * (1.0 / np.sqrt(IN_CH))
    b1 = jnp.zeros((HID_CH,), dtype=jnp.float32)
    W2 = jax.random.normal(k4, (HID_CH, OUT_CH), dtype=jnp.float32) * (1.0 / np.sqrt(HID_CH))
    b2 = jnp.zeros((OUT_CH,), dtype=jnp.float32)
    return {"x": x, "edge_index": edge_index, "W1": W1, "b1": b1, "W2": W2, "b2": b2}


def reference(x, edge_index, W1, b1, W2, b2):
    h = gcn_conv(x, edge_index, W1, b1)
    h = jax.nn.relu(h)
    # dropout is identity in eval mode (deterministic reference)
    out = gcn_conv(h, edge_index, W2, b2)
    return jax.nn.log_softmax(out, axis=1)

if __name__ == "__main__":
    import jax
    _d = setup_inputs()
    print(jax.jit(kernel)(*tuple(_d.values())))

</pallas_src>

<mosaic_0001>
#map = affine_map<(d0, d1) -> (0, 0)>
#map1 = affine_map<(d0, d1) -> (0)>
module attributes {stable_mosaic.version = 14 : i64} {
  func.func @k(%arg0: i32, %arg1: i32, %arg2: memref<20000x128xf32, #tpu.memory_space<hbm>>, %arg3: memref<327680xi32, #tpu.memory_space<hbm>>, %arg4: memref<327680xi32, #tpu.memory_space<hbm>>, %arg5: memref<10112x128xf32, #tpu.memory_space<hbm>>, %arg6: memref<20000x128xf32, #tpu.memory_space<hbm>>, %arg7: memref<2x128xi32, #tpu.memory_space<vmem>>, %arg8: memref<2x128xi32, #tpu.memory_space<vmem>>, %arg9: memref<2x128x128xf32, #tpu.memory_space<vmem>>, %arg10: memref<10112x128xf32, #tpu.memory_space<vmem_shared>>, %arg11: memref<!tpu.dma_semaphore, #tpu.memory_space<semaphore_mem>>, %arg12: memref<!tpu.dma_semaphore, #tpu.memory_space<semaphore_mem>>) attributes {dimension_semantics = [#tpu.dimension_semantics<core_parallel>, #tpu.dimension_semantics<subcore_parallel>], iteration_bounds = array<i64: 2, 16>, scalar_prefetch = 0 : i64, scratch_operands = 6 : i64, tpu.core_type = #tpu.core_type<sc_vector_subcore>, window_params = [{transform_indices = #map}, {transform_indices = #map1}, {transform_indices = #map1}, {transform_indices = #map}, {transform_indices = #map}]} {
    %mul3A = arith.constant 632 : i32
    %mul3A_0 = arith.muli %arg1, %mul3A : i32
    "tpu.region"() ({
      %run_scoped3A_33 = tpu.sem_alloc : memref<!tpu.dma_semaphore, #tpu.memory_space<semaphore_mem>>
      %dma_start3A_34 = arith.constant 0 : i32
      %dma_start3A_35 = tpu.memref_slice %arg10[%mul3A_0, %dma_start3A_34] : memref<10112x128xf32, #tpu.memory_space<vmem_shared>> -> memref<632x128xf32, #tpu.memory_space<vmem_shared>>
      %dma_start3A_36 = arith.constant 0 : i32
      %dma_start3A_37 = tpu.memref_slice %arg5[%mul3A_0, %dma_start3A_36] : memref<10112x128xf32, #tpu.memory_space<hbm>> -> memref<632x128xf32, #tpu.memory_space<hbm>>
      tpu.enqueue_dma source(%dma_start3A_37 : memref<632x128xf32, #tpu.memory_space<hbm>>) target(%dma_start3A_35 : memref<632x128xf32, #tpu.memory_space<vmem_shared>>) target_semaphore(%run_scoped3A_33 : memref<!tpu.dma_semaphore, #tpu.memory_space<semaphore_mem>>)
      %dma_wait3A = arith.constant 0 : i32
      %dma_wait3A_38 = tpu.memref_slice %arg10[%mul3A_0, %dma_wait3A] : memref<10112x128xf32, #tpu.memory_space<vmem_shared>> -> memref<632x128xf32, #tpu.memory_space<vmem_shared>>
      %dma_wait3A_39 = arith.constant 0 : i32
      %dma_wait3A_40 = tpu.memref_slice %arg5[%mul3A_0, %dma_wait3A_39] : memref<10112x128xf32, #tpu.memory_space<hbm>> -> memref<632x128xf32, #tpu.memory_space<hbm>>
      tpu.wait_dma2 semaphore(%run_scoped3A_33 : memref<!tpu.dma_semaphore, #tpu.memory_space<semaphore_mem>>) src(%dma_wait3A_40 : memref<632x128xf32, #tpu.memory_space<hbm>>) dst(%dma_wait3A_38 : memref<632x128xf32, #tpu.memory_space<vmem_shared>>)
      tpu.yield
    }) : () -> ()
    %barrier3A = arith.constant 0 : index
    tpu.barrier barrier_id(%barrier3A)
    %mul3A_1 = arith.constant -76 : i32
    %mul3A_2 = arith.muli %arg0, %mul3A_1 : i32
    %add3A = arith.constant 118 : i32
    %add3A_3 = arith.addi %add3A, %mul3A_2 : i32
    %mul3A_4 = arith.constant 241664 : i32
    %mul3A_5 = arith.muli %arg0, %mul3A_4 : i32
    %mul3A_6 = arith.muli %arg1, %add3A_3 : i32
    %mul3A_7 = arith.constant 128 : i32
    %mul3A_8 = arith.muli %mul3A_6, %mul3A_7 : i32
    %add3A_9 = arith.addi %mul3A_5, %mul3A_8 : i32
    %run_scoped3A = arith.constant 0 : i32
    "tpu.region"() ({
      %run_scoped3A_33 = tpu.sem_alloc : memref<!tpu.dma_semaphore, #tpu.memory_space<semaphore_mem>>
      %dma_start3A_34 = arith.constant 0 : i32
      %dma_start3A_35 = tpu.memref_slice %arg7[%run_scoped3A, %dma_start3A_34] : memref<2x128xi32, #tpu.memory_space<vmem>> -> memref<1x128xi32, #tpu.memory_space<vmem>>
      %dma_start3A_36 = tpu.memref_squeeze %dma_start3A_35 : memref<1x128xi32, #tpu.memory_space<vmem>> -> memref<128xi32, #tpu.memory_space<vmem>>
      %dma_start3A_37 = tpu.memref_slice %arg3[%add3A_9] : memref<327680xi32, #tpu.memory_space<hbm>> -> memref<128xi32, #tpu.memory_space<hbm>>
      %dma_start3A_38 = arith.constant 0 : i32
      %dma_start3A_39 = tpu.memref_slice %arg7[%run_scoped3A, %dma_start3A_38] : memref<2x128xi32, #tpu.memory_space<vmem>> -> memref<1x128xi32, #tpu.memory_space<vmem>>
      %dma_start3A_40 = tpu.memref_squeeze %dma_start3A_39 : memref<1x128xi32, #tpu.memory_space<vmem>> -> memref<128xi32, #tpu.memory_space<vmem>>
      %dma_start3A_41 = tpu.memref_slice %arg3[%add3A_9] : memref<327680xi32, #tpu.memory_space<hbm>> -> memref<128xi32, #tpu.memory_space<hbm>>
      tpu.enqueue_dma source(%dma_start3A_41 : memref<128xi32, #tpu.memory_space<hbm>>) target(%dma_start3A_40 : memref<128xi32, #tpu.memory_space<vmem>>) target_semaphore(%run_scoped3A_33 : memref<!tpu.dma_semaphore, #tpu.memory_space<semaphore_mem>>)
      %dma_wait3A = arith.constant 0 : i32
      %dma_wait3A_42 = tpu.memref_slice %arg7[%run_scoped3A, %dma_wait3A] : memref<2x128xi32, #tpu.memory_space<vmem>> -> memref<1x128xi32, #tpu.memory_space<vmem>>
      %dma_wait3A_43 = tpu.memref_squeeze %dma_wait3A_42 : memref<1x128xi32, #tpu.memory_space<vmem>> -> memref<128xi32, #tpu.memory_space<vmem>>
      %dma_wait3A_44 = tpu.memref_slice %arg3[%add3A_9] : memref<327680xi32, #tpu.memory_space<hbm>> -> memref<128xi32, #tpu.memory_space<hbm>>
      %dma_wait3A_45 = arith.constant 0 : i32
      %dma_wait3A_46 = tpu.memref_slice %arg7[%run_scoped3A, %dma_wait3A_45] : memref<2x128xi32, #tpu.memory_space<vmem>> -> memref<1x128xi32, #tpu.memory_space<vmem>>
      %dma_wait3A_47 = tpu.memref_squeeze %dma_wait3A_46 : memref<1x128xi32, #tpu.memory_space<vmem>> -> memref<128xi32, #tpu.memory_space<vmem>>
      %dma_wait3A_48 = tpu.memref_slice %arg3[%add3A_9] : memref<327680xi32, #tpu.memory_space<hbm>> -> memref<128xi32, #tpu.memory_space<hbm>>
      tpu.wait_dma2 semaphore(%run_scoped3A_33 : memref<!tpu.dma_semaphore, #tpu.memory_space<semaphore_mem>>) src(%dma_wait3A_48 : memref<128xi32, #tpu.memory_space<hbm>>) dst(%dma_wait3A_47 : memref<128xi32, #tpu.memory_space<vmem>>)
      tpu.yield
    }) : () -> ()
    %run_scoped3A_10 = arith.constant 0 : i32
    "tpu.region"() ({
      %run_scoped3A_33 = tpu.sem_alloc : memref<!tpu.dma_semaphore, #tpu.memory_space<semaphore_mem>>
      %dma_start3A_34 = arith.constant 0 : i32
      %dma_start3A_35 = tpu.memref_slice %arg8[%run_scoped3A_10, %dma_start3A_34] : memref<2x128xi32, #tpu.memory_space<vmem>> -> memref<1x128xi32, #tpu.memory_space<vmem>>
      %dma_start3A_36 = tpu.memref_squeeze %dma_start3A_35 : memref<1x128xi32, #tpu.memory_space<vmem>> -> memref<128xi32, #tpu.memory_space<vmem>>
      %dma_start3A_37 = tpu.memref_slice %arg4[%add3A_9] : memref<327680xi32, #tpu.memory_space<hbm>> -> memref<128xi32, #tpu.memory_space<hbm>>
      %dma_start3A_38 = arith.constant 0 : i32
      %dma_start3A_39 = tpu.memref_slice %arg8[%run_scoped3A_10, %dma_start3A_38] : memref<2x128xi32, #tpu.memory_space<vmem>> -> memref<1x128xi32, #tpu.memory_space<vmem>>
      %dma_start3A_40 = tpu.memref_squeeze %dma_start3A_39 : memref<1x128xi32, #tpu.memory_space<vmem>> -> memref<128xi32, #tpu.memory_space<vmem>>
      %dma_start3A_41 = tpu.memref_slice %arg4[%add3A_9] : memref<327680xi32, #tpu.memory_space<hbm>> -> memref<128xi32, #tpu.memory_space<hbm>>
      tpu.enqueue_dma source(%dma_start3A_41 : memref<128xi32, #tpu.memory_space<hbm>>) target(%dma_start3A_40 : memref<128xi32, #tpu.memory_space<vmem>>) target_semaphore(%run_scoped3A_33 : memref<!tpu.dma_semaphore, #tpu.memory_space<semaphore_mem>>)
      %dma_wait3A = arith.constant 0 : i32
      %dma_wait3A_42 = tpu.memref_slice %arg8[%run_scoped3A_10, %dma_wait3A] : memref<2x128xi32, #tpu.memory_space<vmem>> -> memref<1x128xi32, #tpu.memory_space<vmem>>
      %dma_wait3A_43 = tpu.memref_squeeze %dma_wait3A_42 : memref<1x128xi32, #tpu.memory_space<vmem>> -> memref<128xi32, #tpu.memory_space<vmem>>
      %dma_wait3A_44 = tpu.memref_slice %arg4[%add3A_9] : memref<327680xi32, #tpu.memory_space<hbm>> -> memref<128xi32, #tpu.memory_space<hbm>>
      %dma_wait3A_45 = arith.constant 0 : i32
      %dma_wait3A_46 = tpu.memref_slice %arg8[%run_scoped3A_10, %dma_wait3A_45] : memref<2x128xi32, #tpu.memory_space<vmem>> -> memref<1x128xi32, #tpu.memory_space<vmem>>
      %dma_wait3A_47 = tpu.memref_squeeze %dma_wait3A_46 : memref<1x128xi32, #tpu.memory_space<vmem>> -> memref<128xi32, #tpu.memory_space<vmem>>
      %dma_wait3A_48 = tpu.memref_slice %arg4[%add3A_9] : memref<327680xi32, #tpu.memory_space<hbm>> -> memref<128xi32, #tpu.memory_space<hbm>>
      tpu.wait_dma2 semaphore(%run_scoped3A_33 : memref<!tpu.dma_semaphore, #tpu.memory_space<semaphore_mem>>) src(%dma_wait3A_48 : memref<128xi32, #tpu.memory_space<hbm>>) dst(%dma_wait3A_47 : memref<128xi32, #tpu.memory_space<vmem>>)
      tpu.yield
    }) : () -> ()
    %dma_start3A = arith.constant 0 : i32
    %dma_start3A_11 = arith.constant 0 : i32
    %dma_start3A_12 = arith.constant 0 : i32
    %dma_start3A_13 = arith.constant 0 : i32
    %dma_start3A_14 = tpu.memref_slice %arg9[%dma_start3A_11, %dma_start3A_12, %dma_start3A_13] : memref<2x128x128xf32, #tpu.memory_space<vmem>> -> memref<1x128x128xf32, #tpu.memory_space<vmem>>
    %dma_start3A_15 = tpu.memref_squeeze %dma_start3A_14 : memref<1x128x128xf32, #tpu.memory_space<vmem>> -> memref<128x128xf32, #tpu.memory_space<vmem>>
    %dma_start3A_16 = arith.constant 0 : i32
    %dma_start3A_17 = tpu.memref_slice %arg7[%dma_start3A, %dma_start3A_16] : memref<2x128xi32, #tpu.memory_space<vmem>> -> memref<1x128xi32, #tpu.memory_space<vmem>>
    %dma_start3A_18 = tpu.memref_squeeze %dma_start3A_17 : memref<1x128xi32, #tpu.memory_space<vmem>> -> memref<128xi32, #tpu.memory_space<vmem>>
    %dma_start3A_19 = arith.constant 0 : i32
    %dma_start3A_20 = arith.constant 0 : i32
    %dma_start3A_21 = tpu.memref_slice %arg2[%dma_start3A_19, %dma_start3A_20] : memref<20000x128xf32, #tpu.memory_space<hbm>> -> memref<20000x128xf32, #tpu.memory_space<hbm>>
    tpu.enqueue_indirect_dma source(%dma_start3A_21 : memref<20000x128xf32, #tpu.memory_space<hbm>>) target(%dma_start3A_15 : memref<128x128xf32, #tpu.memory_space<vmem>>) offsets(%dma_start3A_18 : memref<128xi32, #tpu.memory_space<vmem>>) semaphore(%arg11 : memref<!tpu.dma_semaphore, #tpu.memory_space<semaphore_mem>>)
    %scan3A = arith.constant 0 : i32
    %scan3A_22 = arith.constant 59 : i32
    %scan3A_23 = arith.addi %scan3A, %scan3A_22 : i32
    %scan3A_24 = arith.constant 1 : i32
    scf.for %scan3A_33 = %scan3A to %scan3A_23 step %scan3A_24  : i32 {
      %mul3A_34 = arith.constant 1 : i32
      %mul3A_35 = arith.muli %scan3A_33, %mul3A_34 : i32
      %add3A_36 = arith.constant 0 : i32
      %add3A_37 = arith.addi %add3A_36, %mul3A_35 : i32
      %mul3A_38 = arith.constant 2 : i32
      %mul3A_39 = arith.muli %mul3A_38, %add3A_37 : i32
      %add3A_40 = arith.constant 0 : i32
      %add3A_41 = arith.addi %mul3A_39, %add3A_40 : i32
      %add3A_42 = arith.constant 1 : i32
      %add3A_43 = arith.addi %add3A_41, %add3A_42 : i32
      %lt3A_44 = arith.cmpi slt, %add3A_43, %add3A_3 : i32
      %convert_element_type3A_45 = arith.extui %lt3A_44 : i1 to i32
      %cond3A_46 = arith.constant 0 : i32
      %cond3A_47 = arith.cmpi ne, %convert_element_type3A_45, %cond3A_46 : i32
      scf.if %cond3A_47 {
        %add3A_66 = arith.constant 1 : i32
        %add3A_67 = arith.addi %add3A_41, %add3A_66 : i32
        %mul3A_68 = arith.constant 128 : i32
        %mul3A_69 = arith.muli %add3A_67, %mul3A_68 : i32
        %add3A_70 = arith.addi %add3A_9, %mul3A_69 : i32
        %run_scoped3A_71 = arith.constant 1 : i32
        "tpu.region"() ({
          %run_scoped3A_85 = tpu.sem_alloc : memref<!tpu.dma_semaphore, #tpu.memory_space<semaphore_mem>>
          %dma_start3A_86 = arith.constant 0 : i32
          %dma_start3A_87 = tpu.memref_slice %arg7[%run_scoped3A_71, %dma_start3A_86] : memref<2x128xi32, #tpu.memory_space<vmem>> -> memref<1x128xi32, #tpu.memory_space<vmem>>
          %dma_start3A_88 = tpu.memref_squeeze %dma_start3A_87 : memref<1x128xi32, #tpu.memory_space<vmem>> -> memref<128xi32, #tpu.memory_space<vmem>>
          %dma_start3A_89 = tpu.memref_slice %arg3[%add3A_70] : memref<327680xi32, #tpu.memory_space<hbm>> -> memref<128xi32, #tpu.memory_space<hbm>>
          %dma_start3A_90 = arith.constant 0 : i32
          %dma_start3A_91 = tpu.memref_slice %arg7[%run_scoped3A_71, %dma_start3A_90] : memref<2x128xi32, #tpu.memory_space<vmem>> -> memref<1x128xi32, #tpu.memory_space<vmem>>
          %dma_start3A_92 = tpu.memref_squeeze %dma_start3A_91 : memref<1x128xi32, #tpu.memory_space<vmem>> -> memref<128xi32, #tpu.memory_space<vmem>>
          %dma_start3A_93 = tpu.memref_slice %arg3[%add3A_70] : memref<327680xi32, #tpu.memory_space<hbm>> -> memref<128xi32, #tpu.memory_space<hbm>>
          tpu.enqueue_dma source(%dma_start3A_93 : memref<128xi32, #tpu.memory_space<hbm>>) target(%dma_start3A_92 : memref<128xi32, #tpu.memory_space<vmem>>) target_semaphore(%run_scoped3A_85 : memref<!tpu.dma_semaphore, #tpu.memory_space<semaphore_mem>>)
          %dma_wait3A = arith.constant 0 : i32
          %dma_wait3A_94 = tpu.memref_slice %arg7[%run_scoped3A_71, %dma_wait3A] : memref<2x128xi32, #tpu.memory_space<vmem>> -> memref<1x128xi32, #tpu.memory_space<vmem>>
          %dma_wait3A_95 = tpu.memref_squeeze %dma_wait3A_94 : memref<1x128xi32, #tpu.memory_space<vmem>> -> memref<128xi32, #tpu.memory_space<vmem>>
          %dma_wait3A_96 = tpu.memref_slice %arg3[%add3A_70] : memref<327680xi32, #tpu.memory_space<hbm>> -> memref<128xi32, #tpu.memory_space<hbm>>
          %dma_wait3A_97 = arith.constant 0 : i32
          %dma_wait3A_98 = tpu.memref_slice %arg7[%run_scoped3A_71, %dma_wait3A_97] : memref<2x128xi32, #tpu.memory_space<vmem>> -> memref<1x128xi32, #tpu.memory_space<vmem>>
          %dma_wait3A_99 = tpu.memref_squeeze %dma_wait3A_98 : memref<1x128xi32, #tpu.memory_space<vmem>> -> memref<128xi32, #tpu.memory_space<vmem>>
          %dma_wait3A_100 = tpu.memref_slice %arg3[%add3A_70] : memref<327680xi32, #tpu.memory_space<hbm>> -> memref<128xi32, #tpu.memory_space<hbm>>
          tpu.wait_dma2 semaphore(%run_scoped3A_85 : memref<!tpu.dma_semaphore, #tpu.memory_space<semaphore_mem>>) src(%dma_wait3A_100 : memref<128xi32, #tpu.memory_space<hbm>>) dst(%dma_wait3A_99 : memref<128xi32, #tpu.memory_space<vmem>>)
          tpu.yield
        }) : () -> ()
        %run_scoped3A_72 = arith.constant 1 : i32
        "tpu.region"() ({
          %run_scoped3A_85 = tpu.sem_alloc : memref<!tpu.dma_semaphore, #tpu.memory_space<semaphore_mem>>
          %dma_start3A_86 = arith.constant 0 : i32
          %dma_start3A_87 = tpu.memref_slice %arg8[%run_scoped3A_72, %dma_start3A_86] : memref<2x128xi32, #tpu.memory_space<vmem>> -> memref<1x128xi32, #tpu.memory_space<vmem>>
          %dma_start3A_88 = tpu.memref_squeeze %dma_start3A_87 : memref<1x128xi32, #tpu.memory_space<vmem>> -> memref<128xi32, #tpu.memory_space<vmem>>
          %dma_start3A_89 = tpu.memref_slice %arg4[%add3A_70] : memref<327680xi32, #tpu.memory_space<hbm>> -> memref<128xi32, #tpu.memory_space<hbm>>
          %dma_start3A_90 = arith.constant 0 : i32
          %dma_start3A_91 = tpu.memref_slice %arg8[%run_scoped3A_72, %dma_start3A_90] : memref<2x128xi32, #tpu.memory_space<vmem>> -> memref<1x128xi32, #tpu.memory_space<vmem>>
          %dma_start3A_92 = tpu.memref_squeeze %dma_start3A_91 : memref<1x128xi32, #tpu.memory_space<vmem>> -> memref<128xi32, #tpu.memory_space<vmem>>
          %dma_start3A_93 = tpu.memref_slice %arg4[%add3A_70] : memref<327680xi32, #tpu.memory_space<hbm>> -> memref<128xi32, #tpu.memory_space<hbm>>
          tpu.enqueue_dma source(%dma_start3A_93 : memref<128xi32, #tpu.memory_space<hbm>>) target(%dma_start3A_92 : memref<128xi32, #tpu.memory_space<vmem>>) target_semaphore(%run_scoped3A_85 : memref<!tpu.dma_semaphore, #tpu.memory_space<semaphore_mem>>)
          %dma_wait3A = arith.constant 0 : i32
          %dma_wait3A_94 = tpu.memref_slice %arg8[%run_scoped3A_72, %dma_wait3A] : memref<2x128xi32, #tpu.memory_space<vmem>> -> memref<1x128xi32, #tpu.memory_space<vmem>>
          %dma_wait3A_95 = tpu.memref_squeeze %dma_wait3A_94 : memref<1x128xi32, #tpu.memory_space<vmem>> -> memref<128xi32, #tpu.memory_space<vmem>>
          %dma_wait3A_96 = tpu.memref_slice %arg4[%add3A_70] : memref<327680xi32, #tpu.memory_space<hbm>> -> memref<128xi32, #tpu.memory_space<hbm>>
          %dma_wait3A_97 = arith.constant 0 : i32
          %dma_wait3A_98 = tpu.memref_slice %arg8[%run_scoped3A_72, %dma_wait3A_97] : memref<2x128xi32, #tpu.memory_space<vmem>> -> memref<1x128xi32, #tpu.memory_space<vmem>>
          %dma_wait3A_99 = tpu.memref_squeeze %dma_wait3A_98 : memref<1x128xi32, #tpu.memory_space<vmem>> -> memref<128xi32, #tpu.memory_space<vmem>>
          %dma_wait3A_100 = tpu.memref_slice %arg4[%add3A_70] : memref<327680xi32, #tpu.memory_space<hbm>> -> memref<128xi32, #tpu.memory_space<hbm>>
          tpu.wait_dma2 semaphore(%run_scoped3A_85 : memref<!tpu.dma_semaphore, #tpu.memory_space<semaphore_mem>>) src(%dma_wait3A_100 : memref<128xi32, #tpu.memory_space<hbm>>) dst(%dma_wait3A_99 : memref<128xi32, #tpu.memory_space<vmem>>)
          tpu.yield
        }) : () -> ()
        %dma_start3A_73 = arith.constant 1 : i32
        %dma_start3A_74 = arith.constant 1 : i32
        %dma_start3A_75 = arith.constant 0 : i32
        %dma_start3A_76 = arith.constant 0 : i32
        %dma_start3A_77 = tpu.memref_slice %arg9[%dma_start3A_74, %dma_start3A_75, %dma_start3A_76] : memref<2x128x128xf32, #tpu.memory_space<vmem>> -> memref<1x128x128xf32, #tpu.memory_space<vmem>>
        %dma_start3A_78 = tpu.memref_squeeze %dma_start3A_77 : memref<1x128x128xf32, #tpu.memory_space<vmem>> -> memref<128x128xf32, #tpu.memory_space<vmem>>
        %dma_start3A_79 = arith.constant 0 : i32
        %dma_start3A_80 = tpu.memref_slice %arg7[%dma_start3A_73, %dma_start3A_79] : memref<2x128xi32, #tpu.memory_space<vmem>> -> memref<1x128xi32, #tpu.memory_space<vmem>>
        %dma_start3A_81 = tpu.memref_squeeze %dma_start3A_80 : memref<1x128xi32, #tpu.memory_space<vmem>> -> memref<128xi32, #tpu.memory_space<vmem>>
        %dma_start3A_82 = arith.constant 0 : i32
        %dma_start3A_83 = arith.constant 0 : i32
        %dma_start3A_84 = tpu.memref_slice %arg2[%dma_start3A_82, %dma_start3A_83] : memref<20000x128xf32, #tpu.memory_space<hbm>> -> memref<20000x128xf32, #tpu.memory_space<hbm>>
        tpu.enqueue_indirect_dma source(%dma_start3A_84 : memref<20000x128xf32, #tpu.memory_space<hbm>>) target(%dma_start3A_78 : memref<128x128xf32, #tpu.memory_space<vmem>>) offsets(%dma_start3A_81 : memref<128xi32, #tpu.memory_space<vmem>>) semaphore(%arg12 : memref<!tpu.dma_semaphore, #tpu.memory_space<semaphore_mem>>)
      } else {
      }
      %lt3A_48 = arith.cmpi slt, %add3A_41, %add3A_3 : i32
      %convert_element_type3A_49 = arith.extui %lt3A_48 : i1 to i32
      %cond3A_50 = arith.constant 0 : i32
      %cond3A_51 = arith.cmpi ne, %convert_element_type3A_49, %cond3A_50 : i32
      scf.if %cond3A_51 {
        %dma_wait3A = arith.constant 0 : i32
        %dma_wait3A_66 = arith.constant 0 : i32
        %dma_wait3A_67 = arith.constant 0 : i32
        %dma_wait3A_68 = arith.constant 0 : i32
        %dma_wait3A_69 = tpu.memref_slice %arg9[%dma_wait3A_66, %dma_wait3A_67, %dma_wait3A_68] : memref<2x128x128xf32, #tpu.memory_space<vmem>> -> memref<1x128x128xf32, #tpu.memory_space<vmem>>
        %dma_wait3A_70 = tpu.memref_squeeze %dma_wait3A_69 : memref<1x128x128xf32, #tpu.memory_space<vmem>> -> memref<128x128xf32, #tpu.memory_space<vmem>>
        %dma_wait3A_71 = arith.constant 0 : i32
        %dma_wait3A_72 = tpu.memref_slice %arg7[%dma_wait3A, %dma_wait3A_71] : memref<2x128xi32, #tpu.memory_space<vmem>> -> memref<1x128xi32, #tpu.memory_space<vmem>>
        %dma_wait3A_73 = tpu.memref_squeeze %dma_wait3A_72 : memref<1x128xi32, #tpu.memory_space<vmem>> -> memref<128xi32, #tpu.memory_space<vmem>>
        %dma_wait3A_74 = arith.constant 0 : i32
        %dma_wait3A_75 = arith.constant 0 : i32
        %dma_wait3A_76 = tpu.memref_slice %arg2[%dma_wait3A_74, %dma_wait3A_75] : memref<20000x128xf32, #tpu.memory_space<hbm>> -> memref<20000x128xf32, #tpu.memory_space<hbm>>
        tpu.wait_indirect_dma semaphore(%arg11 : memref<!tpu.dma_semaphore, #tpu.memory_space<semaphore_mem>>) src(%dma_wait3A_76 : memref<20000x128xf32, #tpu.memory_space<hbm>>) dst(%dma_wait3A_70 : memref<128x128xf32, #tpu.memory_space<vmem>>)
        %run_scoped3A_77 = arith.constant 0 : i32
        %run_scoped3A_78 = arith.constant 0 : i32
        "tpu.region"() ({
          %run_scoped3A_79 = tpu.sem_alloc : memref<!tpu.dma_semaphore, #tpu.memory_space<semaphore_mem>>
          %dma_start3A_80 = arith.constant 0 : i32
          %dma_start3A_81 = arith.constant 0 : i32
          %dma_start3A_82 = tpu.memref_slice %arg9[%run_scoped3A_77, %dma_start3A_80, %dma_start3A_81] : memref<2x128x128xf32, #tpu.memory_space<vmem>> -> memref<1x128x128xf32, #tpu.memory_space<vmem>>
          %dma_start3A_83 = tpu.memref_squeeze %dma_start3A_82 : memref<1x128x128xf32, #tpu.memory_space<vmem>> -> memref<128x128xf32, #tpu.memory_space<vmem>>
          %dma_start3A_84 = arith.constant 0 : i32
          %dma_start3A_85 = tpu.memref_slice %arg8[%run_scoped3A_78, %dma_start3A_84] : memref<2x128xi32, #tpu.memory_space<vmem>> -> memref<1x128xi32, #tpu.memory_space<vmem>>
          %dma_start3A_86 = tpu.memref_squeeze %dma_start3A_85 : memref<1x128xi32, #tpu.memory_space<vmem>> -> memref<128xi32, #tpu.memory_space<vmem>>
          %dma_start3A_87 = arith.constant 0 : i32
          %dma_start3A_88 = arith.constant 0 : i32
          %dma_start3A_89 = tpu.memref_slice %arg10[%dma_start3A_87, %dma_start3A_88] : memref<10112x128xf32, #tpu.memory_space<vmem_shared>> -> memref<10112x128xf32, #tpu.memory_space<vmem_shared>>
          tpu.enqueue_indirect_dma source(%dma_start3A_83 : memref<128x128xf32, #tpu.memory_space<vmem>>) target(%dma_start3A_89 : memref<10112x128xf32, #tpu.memory_space<vmem_shared>>) offsets(%dma_start3A_86 : memref<128xi32, #tpu.memory_space<vmem>>) semaphore(%run_scoped3A_79 : memref<!tpu.dma_semaphore, #tpu.memory_space<semaphore_mem>>) {add = true}
          %dma_wait3A_90 = arith.constant 0 : i32
          %dma_wait3A_91 = arith.constant 0 : i32
          %dma_wait3A_92 = tpu.memref_slice %arg9[%run_scoped3A_77, %dma_wait3A_90, %dma_wait3A_91] : memref<2x128x128xf32, #tpu.memory_space<vmem>> -> memref<1x128x128xf32, #tpu.memory_space<vmem>>
          %dma_wait3A_93 = tpu.memref_squeeze %dma_wait3A_92 : memref<1x128x128xf32, #tpu.memory_space<vmem>> -> memref<128x128xf32, #tpu.memory_space<vmem>>
          %dma_wait3A_94 = arith.constant 0 : i32
          %dma_wait3A_95 = tpu.memref_slice %arg8[%run_scoped3A_78, %dma_wait3A_94] : memref<2x128xi32, #tpu.memory_space<vmem>> -> memref<1x128xi32, #tpu.memory_space<vmem>>
          %dma_wait3A_96 = tpu.memref_squeeze %dma_wait3A_95 : memref<1x128xi32, #tpu.memory_space<vmem>> -> memref<128xi32, #tpu.memory_space<vmem>>
          %dma_wait3A_97 = arith.constant 0 : i32
          %dma_wait3A_98 = arith.constant 0 : i32
          %dma_wait3A_99 = tpu.memref_slice %arg10[%dma_wait3A_97, %dma_wait3A_98] : memref<10112x128xf32, #tpu.memory_space<vmem_shared>> -> memref<10112x128xf32, #tpu.memory_space<vmem_shared>>
          tpu.wait_indirect_dma semaphore(%run_scoped3A_79 : memref<!tpu.dma_semaphore, #tpu.memory_space<semaphore_mem>>) src(%dma_wait3A_93 : memref<128x128xf32, #tpu.memory_space<vmem>>) dst(%dma_wait3A_99 : memref<10112x128xf32, #tpu.memory_space<vmem_shared>>)
          tpu.yield
        }) : () -> ()
      } else {
      }
      %mul3A_52 = arith.constant 2 : i32
      %mul3A_53 = arith.muli %mul3A_52, %add3A_37 : i32
      %add3A_54 = arith.constant 1 : i32
      %add3A_55 = arith.addi %mul3A_53, %add3A_54 : i32
      %add3A_56 = arith.constant 1 : i32
      %add3A_57 = arith.addi %add3A_55, %add3A_56 : i32
      %lt3A_58 = arith.cmpi slt, %add3A_57, %add3A_3 : i32
      %convert_element_type3A_59 = arith.extui %lt3A_58 : i1 to i32
      %cond3A_60 = arith.constant 0 : i32
      %cond3A_61 = arith.cmpi ne, %convert_element_type3A_59, %cond3A_60 : i32
      scf.if %cond3A_61 {
        %add3A_66 = arith.constant 1 : i32
        %add3A_67 = arith.addi %add3A_55, %add3A_66 : i32
        %mul3A_68 = arith.constant 128 : i32
        %mul3A_69 = arith.muli %add3A_67, %mul3A_68 : i32
        %add3A_70 = arith.addi %add3A_9, %mul3A_69 : i32
        %run_scoped3A_71 = arith.constant 0 : i32
        "tpu.region"() ({
          %run_scoped3A_85 = tpu.sem_alloc : memref<!tpu.dma_semaphore, #tpu.memory_space<semaphore_mem>>
          %dma_start3A_86 = arith.constant 0 : i32
          %dma_start3A_87 = tpu.memref_slice %arg7[%run_scoped3A_71, %dma_start3A_86] : memref<2x128xi32, #tpu.memory_space<vmem>> -> memref<1x128xi32, #tpu.memory_space<vmem>>
          %dma_start3A_88 = tpu.memref_squeeze %dma_start3A_87 : memref<1x128xi32, #tpu.memory_space<vmem>> -> memref<128xi32, #tpu.memory_space<vmem>>
          %dma_start3A_89 = tpu.memref_slice %arg3[%add3A_70] : memref<327680xi32, #tpu.memory_space<hbm>> -> memref<128xi32, #tpu.memory_space<hbm>>
          %dma_start3A_90 = arith.constant 0 : i32
          %dma_start3A_91 = tpu.memref_slice %arg7[%run_scoped3A_71, %dma_start3A_90] : memref<2x128xi32, #tpu.memory_space<vmem>> -> memref<1x128xi32, #tpu.memory_space<vmem>>
          %dma_start3A_92 = tpu.memref_squeeze %dma_start3A_91 : memref<1x128xi32, #tpu.memory_space<vmem>> -> memref<128xi32, #tpu.memory_space<vmem>>
          %dma_start3A_93 = tpu.memref_slice %arg3[%add3A_70] : memref<327680xi32, #tpu.memory_space<hbm>> -> memref<128xi32, #tpu.memory_space<hbm>>
          tpu.enqueue_dma source(%dma_start3A_93 : memref<128xi32, #tpu.memory_space<hbm>>) target(%dma_start3A_92 : memref<128xi32, #tpu.memory_space<vmem>>) target_semaphore(%run_scoped3A_85 : memref<!tpu.dma_semaphore, #tpu.memory_space<semaphore_mem>>)
          %dma_wait3A = arith.constant 0 : i32
          %dma_wait3A_94 = tpu.memref_slice %arg7[%run_scoped3A_71, %dma_wait3A] : memref<2x128xi32, #tpu.memory_space<vmem>> -> memref<1x128xi32, #tpu.memory_space<vmem>>
          %dma_wait3A_95 = tpu.memref_squeeze %dma_wait3A_94 : memref<1x128xi32, #tpu.memory_space<vmem>> -> memref<128xi32, #tpu.memory_space<vmem>>
          %dma_wait3A_96 = tpu.memref_slice %arg3[%add3A_70] : memref<327680xi32, #tpu.memory_space<hbm>> -> memref<128xi32, #tpu.memory_space<hbm>>
          %dma_wait3A_97 = arith.constant 0 : i32
          %dma_wait3A_98 = tpu.memref_slice %arg7[%run_scoped3A_71, %dma_wait3A_97] : memref<2x128xi32, #tpu.memory_space<vmem>> -> memref<1x128xi32, #tpu.memory_space<vmem>>
          %dma_wait3A_99 = tpu.memref_squeeze %dma_wait3A_98 : memref<1x128xi32, #tpu.memory_space<vmem>> -> memref<128xi32, #tpu.memory_space<vmem>>
          %dma_wait3A_100 = tpu.memref_slice %arg3[%add3A_70] : memref<327680xi32, #tpu.memory_space<hbm>> -> memref<128xi32, #tpu.memory_space<hbm>>
          tpu.wait_dma2 semaphore(%run_scoped3A_85 : memref<!tpu.dma_semaphore, #tpu.memory_space<semaphore_mem>>) src(%dma_wait3A_100 : memref<128xi32, #tpu.memory_space<hbm>>) dst(%dma_wait3A_99 : memref<128xi32, #tpu.memory_space<vmem>>)
          tpu.yield
        }) : () -> ()
        %run_scoped3A_72 = arith.constant 0 : i32
        "tpu.region"() ({
          %run_scoped3A_85 = tpu.sem_alloc : memref<!tpu.dma_semaphore, #tpu.memory_space<semaphore_mem>>
          %dma_start3A_86 = arith.constant 0 : i32
          %dma_start3A_87 = tpu.memref_slice %arg8[%run_scoped3A_72, %dma_start3A_86] : memref<2x128xi32, #tpu.memory_space<vmem>> -> memref<1x128xi32, #tpu.memory_space<vmem>>
          %dma_start3A_88 = tpu.memref_squeeze %dma_start3A_87 : memref<1x128xi32, #tpu.memory_space<vmem>> -> memref<128xi32, #tpu.memory_space<vmem>>
          %dma_start3A_89 = tpu.memref_slice %arg4[%add3A_70] : memref<327680xi32, #tpu.memory_space<hbm>> -> memref<128xi32, #tpu.memory_space<hbm>>
          %dma_start3A_90 = arith.constant 0 : i32
          %dma_start3A_91 = tpu.memref_slice %arg8[%run_scoped3A_72, %dma_start3A_90] : memref<2x128xi32, #tpu.memory_space<vmem>> -> memref<1x128xi32, #tpu.memory_space<vmem>>
          %dma_start3A_92 = tpu.memref_squeeze %dma_start3A_91 : memref<1x128xi32, #tpu.memory_space<vmem>> -> memref<128xi32, #tpu.memory_space<vmem>>
          %dma_start3A_93 = tpu.memref_slice %arg4[%add3A_70] : memref<327680xi32, #tpu.memory_space<hbm>> -> memref<128xi32, #tpu.memory_space<hbm>>
          tpu.enqueue_dma source(%dma_start3A_93 : memref<128xi32, #tpu.memory_space<hbm>>) target(%dma_start3A_92 : memref<128xi32, #tpu.memory_space<vmem>>) target_semaphore(%run_scoped3A_85 : memref<!tpu.dma_semaphore, #tpu.memory_space<semaphore_mem>>)
          %dma_wait3A = arith.constant 0 : i32
          %dma_wait3A_94 = tpu.memref_slice %arg8[%run_scoped3A_72, %dma_wait3A] : memref<2x128xi32, #tpu.memory_space<vmem>> -> memref<1x128xi32, #tpu.memory_space<vmem>>
          %dma_wait3A_95 = tpu.memref_squeeze %dma_wait3A_94 : memref<1x128xi32, #tpu.memory_space<vmem>> -> memref<128xi32, #tpu.memory_space<vmem>>
          %dma_wait3A_96 = tpu.memref_slice %arg4[%add3A_70] : memref<327680xi32, #tpu.memory_space<hbm>> -> memref<128xi32, #tpu.memory_space<hbm>>
          %dma_wait3A_97 = arith.constant 0 : i32
          %dma_wait3A_98 = tpu.memref_slice %arg8[%run_scoped3A_72, %dma_wait3A_97] : memref<2x128xi32, #tpu.memory_space<vmem>> -> memref<1x128xi32, #tpu.memory_space<vmem>>
          %dma_wait3A_99 = tpu.memref_squeeze %dma_wait3A_98 : memref<1x128xi32, #tpu.memory_space<vmem>> -> memref<128xi32, #tpu.memory_space<vmem>>
          %dma_wait3A_100 = tpu.memref_slice %arg4[%add3A_70] : memref<327680xi32, #tpu.memory_space<hbm>> -> memref<128xi32, #tpu.memory_space<hbm>>
          tpu.wait_dma2 semaphore(%run_scoped3A_85 : memref<!tpu.dma_semaphore, #tpu.memory_space<semaphore_mem>>) src(%dma_wait3A_100 : memref<128xi32, #tpu.memory_space<hbm>>) dst(%dma_wait3A_99 : memref<128xi32, #tpu.memory_space<vmem>>)
          tpu.yield
        }) : () -> ()
        %dma_start3A_73 = arith.constant 0 : i32
        %dma_start3A_74 = arith.constant 0 : i32
        %dma_start3A_75 = arith.constant 0 : i32
        %dma_start3A_76 = arith.constant 0 : i32
        %dma_start3A_77 = tpu.memref_slice %arg9[%dma_start3A_74, %dma_start3A_75, %dma_start3A_76] : memref<2x128x128xf32, #tpu.memory_space<vmem>> -> memref<1x128x128xf32, #tpu.memory_space<vmem>>
        %dma_start3A_78 = tpu.memref_squeeze %dma_start3A_77 : memref<1x128x128xf32, #tpu.memory_space<vmem>> -> memref<128x128xf32, #tpu.memory_space<vmem>>
        %dma_start3A_79 = arith.constant 0 : i32
        %dma_start3A_80 = tpu.memref_slice %arg7[%dma_start3A_73, %dma_start3A_79] : memref<2x128xi32, #tpu.memory_space<vmem>> -> memref<1x128xi32, #tpu.memory_space<vmem>>
        %dma_start3A_81 = tpu.memref_squeeze %dma_start3A_80 : memref<1x128xi32, #tpu.memory_space<vmem>> -> memref<128xi32, #tpu.memory_space<vmem>>
        %dma_start3A_82 = arith.constant 0 : i32
        %dma_start3A_83 = arith.constant 0 : i32
        %dma_start3A_84 = tpu.memref_slice %arg2[%dma_start3A_82, %dma_start3A_83] : memref<20000x128xf32, #tpu.memory_space<hbm>> -> memref<20000x128xf32, #tpu.memory_space<hbm>>
        tpu.enqueue_indirect_dma source(%dma_start3A_84 : memref<20000x128xf32, #tpu.memory_space<hbm>>) target(%dma_start3A_78 : memref<128x128xf32, #tpu.memory_space<vmem>>) offsets(%dma_start3A_81 : memref<128xi32, #tpu.memory_space<vmem>>) semaphore(%arg11 : memref<!tpu.dma_semaphore, #tpu.memory_space<semaphore_mem>>)
      } else {
      }
      %lt3A_62 = arith.cmpi slt, %add3A_55, %add3A_3 : i32
      %convert_element_type3A_63 = arith.extui %lt3A_62 : i1 to i32
      %cond3A_64 = arith.constant 0 : i32
      %cond3A_65 = arith.cmpi ne, %convert_element_type3A_63, %cond3A_64 : i32
      scf.if %cond3A_65 {
        %dma_wait3A = arith.constant 1 : i32
        %dma_wait3A_66 = arith.constant 1 : i32
        %dma_wait3A_67 = arith.constant 0 : i32
        %dma_wait3A_68 = arith.constant 0 : i32
        %dma_wait3A_69 = tpu.memref_slice %arg9[%dma_wait3A_66, %dma_wait3A_67, %dma_wait3A_68] : memref<2x128x128xf32, #tpu.memory_space<vmem>> -> memref<1x128x128xf32, #tpu.memory_space<vmem>>
        %dma_wait3A_70 = tpu.memref_squeeze %dma_wait3A_69 : memref<1x128x128xf32, #tpu.memory_space<vmem>> -> memref<128x128xf32, #tpu.memory_space<vmem>>
        %dma_wait3A_71 = arith.constant 0 : i32
        %dma_wait3A_72 = tpu.memref_slice %arg7[%dma_wait3A, %dma_wait3A_71] : memref<2x128xi32, #tpu.memory_space<vmem>> -> memref<1x128xi32, #tpu.memory_space<vmem>>
        %dma_wait3A_73 = tpu.memref_squeeze %dma_wait3A_72 : memref<1x128xi32, #tpu.memory_space<vmem>> -> memref<128xi32, #tpu.memory_space<vmem>>
        %dma_wait3A_74 = arith.constant 0 : i32
        %dma_wait3A_75 = arith.constant 0 : i32
        %dma_wait3A_76 = tpu.memref_slice %arg2[%dma_wait3A_74, %dma_wait3A_75] : memref<20000x128xf32, #tpu.memory_space<hbm>> -> memref<20000x128xf32, #tpu.memory_space<hbm>>
        tpu.wait_indirect_dma semaphore(%arg12 : memref<!tpu.dma_semaphore, #tpu.memory_space<semaphore_mem>>) src(%dma_wait3A_76 : memref<20000x128xf32, #tpu.memory_space<hbm>>) dst(%dma_wait3A_70 : memref<128x128xf32, #tpu.memory_space<vmem>>)
        %run_scoped3A_77 = arith.constant 1 : i32
        %run_scoped3A_78 = arith.constant 1 : i32
        "tpu.region"() ({
          %run_scoped3A_79 = tpu.sem_alloc : memref<!tpu.dma_semaphore, #tpu.memory_space<semaphore_mem>>
          %dma_start3A_80 = arith.constant 0 : i32
          %dma_start3A_81 = arith.constant 0 : i32
          %dma_start3A_82 = tpu.memref_slice %arg9[%run_scoped3A_77, %dma_start3A_80, %dma_start3A_81] : memref<2x128x128xf32, #tpu.memory_space<vmem>> -> memref<1x128x128xf32, #tpu.memory_space<vmem>>
          %dma_start3A_83 = tpu.memref_squeeze %dma_start3A_82 : memref<1x128x128xf32, #tpu.memory_space<vmem>> -> memref<128x128xf32, #tpu.memory_space<vmem>>
          %dma_start3A_84 = arith.constant 0 : i32
          %dma_start3A_85 = tpu.memref_slice %arg8[%run_scoped3A_78, %dma_start3A_84] : memref<2x128xi32, #tpu.memory_space<vmem>> -> memref<1x128xi32, #tpu.memory_space<vmem>>
          %dma_start3A_86 = tpu.memref_squeeze %dma_start3A_85 : memref<1x128xi32, #tpu.memory_space<vmem>> -> memref<128xi32, #tpu.memory_space<vmem>>
          %dma_start3A_87 = arith.constant 0 : i32
          %dma_start3A_88 = arith.constant 0 : i32
          %dma_start3A_89 = tpu.memref_slice %arg10[%dma_start3A_87, %dma_start3A_88] : memref<10112x128xf32, #tpu.memory_space<vmem_shared>> -> memref<10112x128xf32, #tpu.memory_space<vmem_shared>>
          tpu.enqueue_indirect_dma source(%dma_start3A_83 : memref<128x128xf32, #tpu.memory_space<vmem>>) target(%dma_start3A_89 : memref<10112x128xf32, #tpu.memory_space<vmem_shared>>) offsets(%dma_start3A_86 : memref<128xi32, #tpu.memory_space<vmem>>) semaphore(%run_scoped3A_79 : memref<!tpu.dma_semaphore, #tpu.memory_space<semaphore_mem>>) {add = true}
          %dma_wait3A_90 = arith.constant 0 : i32
          %dma_wait3A_91 = arith.constant 0 : i32
          %dma_wait3A_92 = tpu.memref_slice %arg9[%run_scoped3A_77, %dma_wait3A_90, %dma_wait3A_91] : memref<2x128x128xf32, #tpu.memory_space<vmem>> -> memref<1x128x128xf32, #tpu.memory_space<vmem>>
          %dma_wait3A_93 = tpu.memref_squeeze %dma_wait3A_92 : memref<1x128x128xf32, #tpu.memory_space<vmem>> -> memref<128x128xf32, #tpu.memory_space<vmem>>
          %dma_wait3A_94 = arith.constant 0 : i32
          %dma_wait3A_95 = tpu.memref_slice %arg8[%run_scoped3A_78, %dma_wait3A_94] : memref<2x128xi32, #tpu.memory_space<vmem>> -> memref<1x128xi32, #tpu.memory_space<vmem>>
          %dma_wait3A_96 = tpu.memref_squeeze %dma_wait3A_95 : memref<1x128xi32, #tpu.memory_space<vmem>> -> memref<128xi32, #tpu.memory_space<vmem>>
          %dma_wait3A_97 = arith.constant 0 : i32
          %dma_wait3A_98 = arith.constant 0 : i32
          %dma_wait3A_99 = tpu.memref_slice %arg10[%dma_wait3A_97, %dma_wait3A_98] : memref<10112x128xf32, #tpu.memory_space<vmem_shared>> -> memref<10112x128xf32, #tpu.memory_space<vmem_shared>>
          tpu.wait_indirect_dma semaphore(%run_scoped3A_79 : memref<!tpu.dma_semaphore, #tpu.memory_space<semaphore_mem>>) src(%dma_wait3A_93 : memref<128x128xf32, #tpu.memory_space<vmem>>) dst(%dma_wait3A_99 : memref<10112x128xf32, #tpu.memory_space<vmem_shared>>)
          tpu.yield
        }) : () -> ()
      } else {
      }
    }
    %scan3A_25 = arith.constant 59 : i32
    %barrier3A_26 = arith.constant 0 : index
    tpu.barrier barrier_id(%barrier3A_26)
    %lt3A = arith.constant 15 : i32
    %lt3A_27 = arith.cmpi slt, %arg1, %lt3A : i32
    %convert_element_type3A = arith.extui %lt3A_27 : i1 to i32
    %cond3A = arith.constant 0 : i32
    %cond3A_28 = arith.cmpi ne, %convert_element_type3A, %cond3A : i32
    scf.if %cond3A_28 {
      %mul3A_33 = arith.constant 632 : i32
      %mul3A_34 = arith.muli %arg1, %mul3A_33 : i32
      %mul3A_35 = arith.constant 10000 : i32
      %mul3A_36 = arith.muli %arg0, %mul3A_35 : i32
      %add3A_37 = arith.addi %mul3A_36, %mul3A_34 : i32
      "tpu.region"() ({
        %run_scoped3A_38 = tpu.sem_alloc : memref<!tpu.dma_semaphore, #tpu.memory_space<semaphore_mem>>
        %dma_start3A_39 = arith.constant 0 : i32
        %dma_start3A_40 = tpu.memref_slice %arg6[%add3A_37, %dma_start3A_39] : memref<20000x128xf32, #tpu.memory_space<hbm>> -> memref<632x128xf32, #tpu.memory_space<hbm>>
        %dma_start3A_41 = arith.constant 0 : i32
        %dma_start3A_42 = tpu.memref_slice %arg10[%mul3A_34, %dma_start3A_41] : memref<10112x128xf32, #tpu.memory_space<vmem_shared>> -> memref<632x128xf32, #tpu.memory_space<vmem_shared>>
        tpu.enqueue_dma source(%dma_start3A_42 : memref<632x128xf32, #tpu.memory_space<vmem_shared>>) target(%dma_start3A_40 : memref<632x128xf32, #tpu.memory_space<hbm>>) target_semaphore(%run_scoped3A_38 : memref<!tpu.dma_semaphore, #tpu.memory_space<semaphore_mem>>)
        %dma_wait3A = arith.constant 0 : i32
        %dma_wait3A_43 = tpu.memref_slice %arg6[%add3A_37, %dma_wait3A] : memref<20000x128xf32, #tpu.memory_space<hbm>> -> memref<632x128xf32, #tpu.memory_space<hbm>>
        %dma_wait3A_44 = arith.constant 0 : i32
        %dma_wait3A_45 = tpu.memref_slice %arg10[%mul3A_34, %dma_wait3A_44] : memref<10112x128xf32, #tpu.memory_space<vmem_shared>> -> memref<632x128xf32, #tpu.memory_space<vmem_shared>>
        tpu.wait_dma2 semaphore(%run_scoped3A_38 : memref<!tpu.dma_semaphore, #tpu.memory_space<semaphore_mem>>) src(%dma_wait3A_45 : memref<632x128xf32, #tpu.memory_space<vmem_shared>>) dst(%dma_wait3A_43 : memref<632x128xf32, #tpu.memory_space<hbm>>)
        tpu.yield
      }) : () -> ()
    } else {
    }
    %eq3A = arith.constant 15 : i32
    %eq3A_29 = arith.cmpi eq, %arg1, %eq3A : i32
    %convert_element_type3A_30 = arith.extui %eq3A_29 : i1 to i32
    %cond3A_31 = arith.constant 0 : i32
    %cond3A_32 = arith.cmpi ne, %convert_element_type3A_30, %cond3A_31 : i32
    scf.if %cond3A_32 {
      %mul3A_33 = arith.constant 10000 : i32
      %mul3A_34 = arith.muli %arg0, %mul3A_33 : i32
      %add3A_35 = arith.constant 9480 : i32
      %add3A_36 = arith.addi %mul3A_34, %add3A_35 : i32
      "tpu.region"() ({
        %run_scoped3A_37 = tpu.sem_alloc : memref<!tpu.dma_semaphore, #tpu.memory_space<semaphore_mem>>
        %dma_start3A_38 = arith.constant 0 : i32
        %dma_start3A_39 = tpu.memref_slice %arg6[%add3A_36, %dma_start3A_38] : memref<20000x128xf32, #tpu.memory_space<hbm>> -> memref<520x128xf32, #tpu.memory_space<hbm>>
        %dma_start3A_40 = arith.constant 9480 : i32
        %dma_start3A_41 = arith.constant 0 : i32
        %dma_start3A_42 = tpu.memref_slice %arg10[%dma_start3A_40, %dma_start3A_41] : memref<10112x128xf32, #tpu.memory_space<vmem_shared>> -> memref<520x128xf32, #tpu.memory_space<vmem_shared>>
        tpu.enqueue_dma source(%dma_start3A_42 : memref<520x128xf32, #tpu.memory_space<vmem_shared>>) target(%dma_start3A_39 : memref<520x128xf32, #tpu.memory_space<hbm>>) target_semaphore(%run_scoped3A_37 : memref<!tpu.dma_semaphore, #tpu.memory_space<semaphore_mem>>)
        %dma_wait3A = arith.constant 0 : i32
        %dma_wait3A_43 = tpu.memref_slice %arg6[%add3A_36, %dma_wait3A] : memref<20000x128xf32, #tpu.memory_space<hbm>> -> memref<520x128xf32, #tpu.memory_space<hbm>>
        %dma_wait3A_44 = arith.constant 9480 : i32
        %dma_wait3A_45 = arith.constant 0 : i32
        %dma_wait3A_46 = tpu.memref_slice %arg10[%dma_wait3A_44, %dma_wait3A_45] : memref<10112x128xf32, #tpu.memory_space<vmem_shared>> -> memref<520x128xf32, #tpu.memory_space<vmem_shared>>
        tpu.wait_dma2 semaphore(%run_scoped3A_37 : memref<!tpu.dma_semaphore, #tpu.memory_space<semaphore_mem>>) src(%dma_wait3A_46 : memref<520x128xf32, #tpu.memory_space<vmem_shared>>) dst(%dma_wait3A_43 : memref<520x128xf32, #tpu.memory_space<hbm>>)
        tpu.yield
      }) : () -> ()
    } else {
    }
    return
  }
}

#map = affine_map<(d0, d1) -> (0)>
#map1 = affine_map<(d0, d1) -> (0, 0)>
module attributes {stable_mosaic.version = 14 : i64} {
  func.func @k(%arg0: i32, %arg1: i32, %arg2: memref<327680xi32, #tpu.memory_space<hbm>>, %arg3: memref<128x128xf32, #tpu.memory_space<hbm>>, %arg4: memref<10112x128xf32, #tpu.memory_space<hbm>>, %arg5: memref<20000x128xf32, #tpu.memory_space<hbm>>, %arg6: memref<1x128xi32, #tpu.memory_space<vmem>>, %arg7: memref<128x128xf32, #tpu.memory_space<vmem>>, %arg8: memref<10112x128xf32, #tpu.memory_space<vmem_shared>>) attributes {dimension_semantics = [#tpu.dimension_semantics<core_parallel>, #tpu.dimension_semantics<subcore_parallel>], iteration_bounds = array<i64: 2, 16>, scalar_prefetch = 0 : i64, scratch_operands = 3 : i64, tpu.core_type = #tpu.core_type<sc_vector_subcore>, window_params = [{transform_indices = #map}, {transform_indices = #map1}, {transform_indices = #map1}, {transform_indices = #map1}]} {
    %mul3A = arith.constant 632 : i32
    %mul3A_0 = arith.muli %arg1, %mul3A : i32
    "tpu.region"() ({
      %run_scoped3A = tpu.sem_alloc : memref<!tpu.dma_semaphore, #tpu.memory_space<semaphore_mem>>
      %dma_start3A = arith.constant 0 : i32
      %dma_start3A_18 = tpu.memref_slice %arg8[%mul3A_0, %dma_start3A] : memref<10112x128xf32, #tpu.memory_space<vmem_shared>> -> memref<632x128xf32, #tpu.memory_space<vmem_shared>>
      %dma_start3A_19 = arith.constant 0 : i32
      %dma_start3A_20 = tpu.memref_slice %arg4[%mul3A_0, %dma_start3A_19] : memref<10112x128xf32, #tpu.memory_space<hbm>> -> memref<632x128xf32, #tpu.memory_space<hbm>>
      tpu.enqueue_dma source(%dma_start3A_20 : memref<632x128xf32, #tpu.memory_space<hbm>>) target(%dma_start3A_18 : memref<632x128xf32, #tpu.memory_space<vmem_shared>>) target_semaphore(%run_scoped3A : memref<!tpu.dma_semaphore, #tpu.memory_space<semaphore_mem>>)
      %dma_wait3A = arith.constant 0 : i32
      %dma_wait3A_21 = tpu.memref_slice %arg8[%mul3A_0, %dma_wait3A] : memref<10112x128xf32, #tpu.memory_space<vmem_shared>> -> memref<632x128xf32, #tpu.memory_space<vmem_shared>>
      %dma_wait3A_22 = arith.constant 0 : i32
      %dma_wait3A_23 = tpu.memref_slice %arg4[%mul3A_0, %dma_wait3A_22] : memref<10112x128xf32, #tpu.memory_space<hbm>> -> memref<632x128xf32, #tpu.memory_space<hbm>>
      tpu.wait_dma2 semaphore(%run_scoped3A : memref<!tpu.dma_semaphore, #tpu.memory_space<semaphore_mem>>) src(%dma_wait3A_23 : memref<632x128xf32, #tpu.memory_space<hbm>>) dst(%dma_wait3A_21 : memref<632x128xf32, #tpu.memory_space<vmem_shared>>)
      tpu.yield
    }) : () -> ()
    "tpu.region"() ({
      %run_scoped3A = tpu.sem_alloc : memref<!tpu.dma_semaphore, #tpu.memory_space<semaphore_mem>>
      tpu.enqueue_dma source(%arg3 : memref<128x128xf32, #tpu.memory_space<hbm>>) target(%arg7 : memref<128x128xf32, #tpu.memory_space<vmem>>) target_semaphore(%run_scoped3A : memref<!tpu.dma_semaphore, #tpu.memory_space<semaphore_mem>>)
      tpu.wait_dma2 semaphore(%run_scoped3A : memref<!tpu.dma_semaphore, #tpu.memory_space<semaphore_mem>>) src(%arg3 : memref<128x128xf32, #tpu.memory_space<hbm>>) dst(%arg7 : memref<128x128xf32, #tpu.memory_space<vmem>>)
      tpu.yield
    }) : () -> ()
    %barrier3A = arith.constant 0 : index
    tpu.barrier barrier_id(%barrier3A)
    %mul3A_1 = arith.constant 16 : i32
    %mul3A_2 = arith.muli %arg0, %mul3A_1 : i32
    %add3A = arith.addi %mul3A_2, %arg1 : i32
    %mul3A_3 = arith.constant 80 : i32
    %mul3A_4 = arith.muli %add3A, %mul3A_3 : i32
    %mul3A_5 = arith.constant 128 : i32
    %mul3A_6 = arith.muli %mul3A_4, %mul3A_5 : i32
    %scan3A = arith.constant 0 : i32
    %scan3A_7 = arith.constant 80 : i32
    %scan3A_8 = arith.addi %scan3A, %scan3A_7 : i32
    %scan3A_9 = arith.constant 1 : i32
    scf.for %scan3A_18 = %scan3A to %scan3A_8 step %scan3A_9  : i32 {
      %mul3A_19 = arith.constant 1 : i32
      %mul3A_20 = arith.muli %scan3A_18, %mul3A_19 : i32
      %add3A_21 = arith.constant 0 : i32
      %add3A_22 = arith.addi %add3A_21, %mul3A_20 : i32
      %mul3A_23 = arith.constant 128 : i32
      %mul3A_24 = arith.muli %add3A_22, %mul3A_23 : i32
      %add3A_25 = arith.addi %mul3A_6, %mul3A_24 : i32
      %run_scoped3A = arith.constant 0 : i32
      "tpu.region"() ({
        %run_scoped3A_27 = tpu.sem_alloc : memref<!tpu.dma_semaphore, #tpu.memory_space<semaphore_mem>>
        %dma_start3A = arith.constant 0 : i32
        %dma_start3A_28 = tpu.memref_slice %arg6[%run_scoped3A, %dma_start3A] : memref<1x128xi32, #tpu.memory_space<vmem>> -> memref<1x128xi32, #tpu.memory_space<vmem>>
        %dma_start3A_29 = tpu.memref_squeeze %dma_start3A_28 : memref<1x128xi32, #tpu.memory_space<vmem>> -> memref<128xi32, #tpu.memory_space<vmem>>
        %dma_start3A_30 = tpu.memref_slice %arg2[%add3A_25] : memref<327680xi32, #tpu.memory_space<hbm>> -> memref<128xi32, #tpu.memory_space<hbm>>
        %dma_start3A_31 = arith.constant 0 : i32
        %dma_start3A_32 = tpu.memref_slice %arg6[%run_scoped3A, %dma_start3A_31] : memref<1x128xi32, #tpu.memory_space<vmem>> -> memref<1x128xi32, #tpu.memory_space<vmem>>
        %dma_start3A_33 = tpu.memref_squeeze %dma_start3A_32 : memref<1x128xi32, #tpu.memory_space<vmem>> -> memref<128xi32, #tpu.memory_space<vmem>>
        %dma_start3A_34 = tpu.memref_slice %arg2[%add3A_25] : memref<327680xi32, #tpu.memory_space<hbm>> -> memref<128xi32, #tpu.memory_space<hbm>>
        tpu.enqueue_dma source(%dma_start3A_34 : memref<128xi32, #tpu.memory_space<hbm>>) target(%dma_start3A_33 : memref<128xi32, #tpu.memory_space<vmem>>) target_semaphore(%run_scoped3A_27 : memref<!tpu.dma_semaphore, #tpu.memory_space<semaphore_mem>>)
        %dma_wait3A = arith.constant 0 : i32
        %dma_wait3A_35 = tpu.memref_slice %arg6[%run_scoped3A, %dma_wait3A] : memref<1x128xi32, #tpu.memory_space<vmem>> -> memref<1x128xi32, #tpu.memory_space<vmem>>
        %dma_wait3A_36 = tpu.memref_squeeze %dma_wait3A_35 : memref<1x128xi32, #tpu.memory_space<vmem>> -> memref<128xi32, #tpu.memory_space<vmem>>
        %dma_wait3A_37 = tpu.memref_slice %arg2[%add3A_25] : memref<327680xi32, #tpu.memory_space<hbm>> -> memref<128xi32, #tpu.memory_space<hbm>>
        %dma_wait3A_38 = arith.constant 0 : i32
        %dma_wait3A_39 = tpu.memref_slice %arg6[%run_scoped3A, %dma_wait3A_38] : memref<1x128xi32, #tpu.memory_space<vmem>> -> memref<1x128xi32, #tpu.memory_space<vmem>>
        %dma_wait3A_40 = tpu.memref_squeeze %dma_wait3A_39 : memref<1x128xi32, #tpu.memory_space<vmem>> -> memref<128xi32, #tpu.memory_space<vmem>>
        %dma_wait3A_41 = tpu.memref_slice %arg2[%add3A_25] : memref<327680xi32, #tpu.memory_space<hbm>> -> memref<128xi32, #tpu.memory_space<hbm>>
        tpu.wait_dma2 semaphore(%run_scoped3A_27 : memref<!tpu.dma_semaphore, #tpu.memory_space<semaphore_mem>>) src(%dma_wait3A_41 : memref<128xi32, #tpu.memory_space<hbm>>) dst(%dma_wait3A_40 : memref<128xi32, #tpu.memory_space<vmem>>)
        tpu.yield
      }) : () -> ()
      %run_scoped3A_26 = arith.constant 0 : i32
      "tpu.region"() ({
        %run_scoped3A_27 = tpu.sem_alloc : memref<!tpu.dma_semaphore, #tpu.memory_space<semaphore_mem>>
        %dma_start3A = arith.constant 0 : i32
        %dma_start3A_28 = tpu.memref_slice %arg6[%run_scoped3A_26, %dma_start3A] : memref<1x128xi32, #tpu.memory_space<vmem>> -> memref<1x128xi32, #tpu.memory_space<vmem>>
        %dma_start3A_29 = tpu.memref_squeeze %dma_start3A_28 : memref<1x128xi32, #tpu.memory_space<vmem>> -> memref<128xi32, #tpu.memory_space<vmem>>
        %dma_start3A_30 = arith.constant 0 : i32
        %dma_start3A_31 = arith.constant 0 : i32
        %dma_start3A_32 = tpu.memref_slice %arg8[%dma_start3A_30, %dma_start3A_31] : memref<10112x128xf32, #tpu.memory_space<vmem_shared>> -> memref<10112x128xf32, #tpu.memory_space<vmem_shared>>
        tpu.enqueue_indirect_dma source(%arg7 : memref<128x128xf32, #tpu.memory_space<vmem>>) target(%dma_start3A_32 : memref<10112x128xf32, #tpu.memory_space<vmem_shared>>) offsets(%dma_start3A_29 : memref<128xi32, #tpu.memory_space<vmem>>) semaphore(%run_scoped3A_27 : memref<!tpu.dma_semaphore, #tpu.memory_space<semaphore_mem>>) {add = true}
        %dma_wait3A = arith.constant 0 : i32
        %dma_wait3A_33 = tpu.memref_slice %arg6[%run_scoped3A_26, %dma_wait3A] : memref<1x128xi32, #tpu.memory_space<vmem>> -> memref<1x128xi32, #tpu.memory_space<vmem>>
        %dma_wait3A_34 = tpu.memref_squeeze %dma_wait3A_33 : memref<1x128xi32, #tpu.memory_space<vmem>> -> memref<128xi32, #tpu.memory_space<vmem>>
        %dma_wait3A_35 = arith.constant 0 : i32
        %dma_wait3A_36 = arith.constant 0 : i32
        %dma_wait3A_37 = tpu.memref_slice %arg8[%dma_wait3A_35, %dma_wait3A_36] : memref<10112x128xf32, #tpu.memory_space<vmem_shared>> -> memref<10112x128xf32, #tpu.memory_space<vmem_shared>>
        tpu.wait_indirect_dma semaphore(%run_scoped3A_27 : memref<!tpu.dma_semaphore, #tpu.memory_space<semaphore_mem>>) src(%arg7 : memref<128x128xf32, #tpu.memory_space<vmem>>) dst(%dma_wait3A_37 : memref<10112x128xf32, #tpu.memory_space<vmem_shared>>)
        tpu.yield
      }) : () -> ()
    }
    %scan3A_10 = arith.constant 80 : i32
    %barrier3A_11 = arith.constant 0 : index
    tpu.barrier barrier_id(%barrier3A_11)
    %lt3A = arith.constant 15 : i32
    %lt3A_12 = arith.cmpi slt, %arg1, %lt3A : i32
    %convert_element_type3A = arith.extui %lt3A_12 : i1 to i32
    %cond3A = arith.constant 0 : i32
    %cond3A_13 = arith.cmpi ne, %convert_element_type3A, %cond3A : i32
    scf.if %cond3A_13 {
      %mul3A_18 = arith.constant 632 : i32
      %mul3A_19 = arith.muli %arg1, %mul3A_18 : i32
      %mul3A_20 = arith.constant 10000 : i32
      %mul3A_21 = arith.muli %arg0, %mul3A_20 : i32
      %add3A_22 = arith.addi %mul3A_21, %mul3A_19 : i32
      "tpu.region"() ({
        %run_scoped3A = tpu.sem_alloc : memref<!tpu.dma_semaphore, #tpu.memory_space<semaphore_mem>>
        %dma_start3A = arith.constant 0 : i32
        %dma_start3A_23 = tpu.memref_slice %arg5[%add3A_22, %dma_start3A] : memref<20000x128xf32, #tpu.memory_space<hbm>> -> memref<632x128xf32, #tpu.memory_space<hbm>>
        %dma_start3A_24 = arith.constant 0 : i32
        %dma_start3A_25 = tpu.memref_slice %arg8[%mul3A_19, %dma_start3A_24] : memref<10112x128xf32, #tpu.memory_space<vmem_shared>> -> memref<632x128xf32, #tpu.memory_space<vmem_shared>>
        tpu.enqueue_dma source(%dma_start3A_25 : memref<632x128xf32, #tpu.memory_space<vmem_shared>>) target(%dma_start3A_23 : memref<632x128xf32, #tpu.memory_space<hbm>>) target_semaphore(%run_scoped3A : memref<!tpu.dma_semaphore, #tpu.memory_space<semaphore_mem>>)
        %dma_wait3A = arith.constant 0 : i32
        %dma_wait3A_26 = tpu.memref_slice %arg5[%add3A_22, %dma_wait3A] : memref<20000x128xf32, #tpu.memory_space<hbm>> -> memref<632x128xf32, #tpu.memory_space<hbm>>
        %dma_wait3A_27 = arith.constant 0 : i32
        %dma_wait3A_28 = tpu.memref_slice %arg8[%mul3A_19, %dma_wait3A_27] : memref<10112x128xf32, #tpu.memory_space<vmem_shared>> -> memref<632x128xf32, #tpu.memory_space<vmem_shared>>
        tpu.wait_dma2 semaphore(%run_scoped3A : memref<!tpu.dma_semaphore, #tpu.memory_space<semaphore_mem>>) src(%dma_wait3A_28 : memref<632x128xf32, #tpu.memory_space<vmem_shared>>) dst(%dma_wait3A_26 : memref<632x128xf32, #tpu.memory_space<hbm>>)
        tpu.yield
      }) : () -> ()
    } else {
    }
    %eq3A = arith.constant 15 : i32
    %eq3A_14 = arith.cmpi eq, %arg1, %eq3A : i32
    %convert_element_type3A_15 = arith.extui %eq3A_14 : i1 to i32
    %cond3A_16 = arith.constant 0 : i32
    %cond3A_17 = arith.cmpi ne, %convert_element_type3A_15, %cond3A_16 : i32
    scf.if %cond3A_17 {
      %mul3A_18 = arith.constant 10000 : i32
      %mul3A_19 = arith.muli %arg0, %mul3A_18 : i32
      %add3A_20 = arith.constant 9480 : i32
      %add3A_21 = arith.addi %mul3A_19, %add3A_20 : i32
      "tpu.region"() ({
        %run_scoped3A = tpu.sem_alloc : memref<!tpu.dma_semaphore, #tpu.memory_space<semaphore_mem>>
        %dma_start3A = arith.constant 0 : i32
        %dma_start3A_22 = tpu.memref_slice %arg5[%add3A_21, %dma_start3A] : memref<20000x128xf32, #tpu.memory_space<hbm>> -> memref<520x128xf32, #tpu.memory_space<hbm>>
        %dma_start3A_23 = arith.constant 9480 : i32
        %dma_start3A_24 = arith.constant 0 : i32
        %dma_start3A_25 = tpu.memref_slice %arg8[%dma_start3A_23, %dma_start3A_24] : memref<10112x128xf32, #tpu.memory_space<vmem_shared>> -> memref<520x128xf32, #tpu.memory_space<vmem_shared>>
        tpu.enqueue_dma source(%dma_start3A_25 : memref<520x128xf32, #tpu.memory_space<vmem_shared>>) target(%dma_start3A_22 : memref<520x128xf32, #tpu.memory_space<hbm>>) target_semaphore(%run_scoped3A : memref<!tpu.dma_semaphore, #tpu.memory_space<semaphore_mem>>)
        %dma_wait3A = arith.constant 0 : i32
        %dma_wait3A_26 = tpu.memref_slice %arg5[%add3A_21, %dma_wait3A] : memref<20000x128xf32, #tpu.memory_space<hbm>> -> memref<520x128xf32, #tpu.memory_space<hbm>>
        %dma_wait3A_27 = arith.constant 9480 : i32
        %dma_wait3A_28 = arith.constant 0 : i32
        %dma_wait3A_29 = tpu.memref_slice %arg8[%dma_wait3A_27, %dma_wait3A_28] : memref<10112x128xf32, #tpu.memory_space<vmem_shared>> -> memref<520x128xf32, #tpu.memory_space<vmem_shared>>
        tpu.wait_dma2 semaphore(%run_scoped3A : memref<!tpu.dma_semaphore, #tpu.memory_space<semaphore_mem>>) src(%dma_wait3A_29 : memref<520x128xf32, #tpu.memory_space<vmem_shared>>) dst(%dma_wait3A_26 : memref<520x128xf32, #tpu.memory_space<hbm>>)
        tpu.yield
      }) : () -> ()
    } else {
    }
    return
  }
}

#map = affine_map<(d0, d1) -> (0, 0)>
#map1 = affine_map<(d0, d1) -> (0)>
module attributes {stable_mosaic.version = 14 : i64} {
  func.func @k(%arg0: i32, %arg1: i32, %arg2: memref<20000x128xf32, #tpu.memory_space<hbm>>, %arg3: memref<327680xi32, #tpu.memory_space<hbm>>, %arg4: memref<327680xi32, #tpu.memory_space<hbm>>, %arg5: memref<10112x128xf32, #tpu.memory_space<hbm>>, %arg6: memref<20000x128xf32, #tpu.memory_space<hbm>>, %arg7: memref<2x128xi32, #tpu.memory_space<vmem>>, %arg8: memref<2x128xi32, #tpu.memory_space<vmem>>, %arg9: memref<2x128x128xf32, #tpu.memory_space<vmem>>, %arg10: memref<10112x128xf32, #tpu.memory_space<vmem_shared>>, %arg11: memref<!tpu.dma_semaphore, #tpu.memory_space<semaphore_mem>>, %arg12: memref<!tpu.dma_semaphore, #tpu.memory_space<semaphore_mem>>) attributes {dimension_semantics = [#tpu.dimension_semantics<core_parallel>, #tpu.dimension_semantics<subcore_parallel>], iteration_bounds = array<i64: 2, 16>, scalar_prefetch = 0 : i64, scratch_operands = 6 : i64, tpu.core_type = #tpu.core_type<sc_vector_subcore>, window_params = [{transform_indices = #map}, {transform_indices = #map1}, {transform_indices = #map1}, {transform_indices = #map}, {transform_indices = #map}]} {
    %mul3A = arith.constant 632 : i32
    %mul3A_0 = arith.muli %arg1, %mul3A : i32
    "tpu.region"() ({
      %run_scoped3A_33 = tpu.sem_alloc : memref<!tpu.dma_semaphore, #tpu.memory_space<semaphore_mem>>
      %dma_start3A_34 = arith.constant 0 : i32
      %dma_start3A_35 = tpu.memref_slice %arg10[%mul3A_0, %dma_start3A_34] : memref<10112x128xf32, #tpu.memory_space<vmem_shared>> -> memref<632x128xf32, #tpu.memory_space<vmem_shared>>
      %dma_start3A_36 = arith.constant 0 : i32
      %dma_start3A_37 = tpu.memref_slice %arg5[%mul3A_0, %dma_start3A_36] : memref<10112x128xf32, #tpu.memory_space<hbm>> -> memref<632x128xf32, #tpu.memory_space<hbm>>
      tpu.enqueue_dma source(%dma_start3A_37 : memref<632x128xf32, #tpu.memory_space<hbm>>) target(%dma_start3A_35 : memref<632x128xf32, #tpu.memory_space<vmem_shared>>) target_semaphore(%run_scoped3A_33 : memref<!tpu.dma_semaphore, #tpu.memory_space<semaphore_mem>>)
      %dma_wait3A = arith.constant 0 : i32
      %dma_wait3A_38 = tpu.memref_slice %arg10[%mul3A_0, %dma_wait3A] : memref<10112x128xf32, #tpu.memory_space<vmem_shared>> -> memref<632x128xf32, #tpu.memory_space<vmem_shared>>
      %dma_wait3A_39 = arith.constant 0 : i32
      %dma_wait3A_40 = tpu.memref_slice %arg5[%mul3A_0, %dma_wait3A_39] : memref<10112x128xf32, #tpu.memory_space<hbm>> -> memref<632x128xf32, #tpu.memory_space<hbm>>
      tpu.wait_dma2 semaphore(%run_scoped3A_33 : memref<!tpu.dma_semaphore, #tpu.memory_space<semaphore_mem>>) src(%dma_wait3A_40 : memref<632x128xf32, #tpu.memory_space<hbm>>) dst(%dma_wait3A_38 : memref<632x128xf32, #tpu.memory_space<vmem_shared>>)
      tpu.yield
    }) : () -> ()
    %barrier3A = arith.constant 0 : index
    tpu.barrier barrier_id(%barrier3A)
    %mul3A_1 = arith.constant -76 : i32
    %mul3A_2 = arith.muli %arg0, %mul3A_1 : i32
    %add3A = arith.constant 118 : i32
    %add3A_3 = arith.addi %add3A, %mul3A_2 : i32
    %mul3A_4 = arith.constant 241664 : i32
    %mul3A_5 = arith.muli %arg0, %mul3A_4 : i32
    %mul3A_6 = arith.muli %arg1, %add3A_3 : i32
    %mul3A_7 = arith.constant 128 : i32
    %mul3A_8 = arith.muli %mul3A_6, %mul3A_7 : i32
    %add3A_9 = arith.addi %mul3A_5, %mul3A_8 : i32
    %run_scoped3A = arith.constant 0 : i32
    "tpu.region"() ({
      %run_scoped3A_33 = tpu.sem_alloc : memref<!tpu.dma_semaphore, #tpu.memory_space<semaphore_mem>>
      %dma_start3A_34 = arith.constant 0 : i32
      %dma_start3A_35 = tpu.memref_slice %arg7[%run_scoped3A, %dma_start3A_34] : memref<2x128xi32, #tpu.memory_space<vmem>> -> memref<1x128xi32, #tpu.memory_space<vmem>>
      %dma_start3A_36 = tpu.memref_squeeze %dma_start3A_35 : memref<1x128xi32, #tpu.memory_space<vmem>> -> memref<128xi32, #tpu.memory_space<vmem>>
      %dma_start3A_37 = tpu.memref_slice %arg3[%add3A_9] : memref<327680xi32, #tpu.memory_space<hbm>> -> memref<128xi32, #tpu.memory_space<hbm>>
      %dma_start3A_38 = arith.constant 0 : i32
      %dma_start3A_39 = tpu.memref_slice %arg7[%run_scoped3A, %dma_start3A_38] : memref<2x128xi32, #tpu.memory_space<vmem>> -> memref<1x128xi32, #tpu.memory_space<vmem>>
      %dma_start3A_40 = tpu.memref_squeeze %dma_start3A_39 : memref<1x128xi32, #tpu.memory_space<vmem>> -> memref<128xi32, #tpu.memory_space<vmem>>
      %dma_start3A_41 = tpu.memref_slice %arg3[%add3A_9] : memref<327680xi32, #tpu.memory_space<hbm>> -> memref<128xi32, #tpu.memory_space<hbm>>
      tpu.enqueue_dma source(%dma_start3A_41 : memref<128xi32, #tpu.memory_space<hbm>>) target(%dma_start3A_40 : memref<128xi32, #tpu.memory_space<vmem>>) target_semaphore(%run_scoped3A_33 : memref<!tpu.dma_semaphore, #tpu.memory_space<semaphore_mem>>)
      %dma_wait3A = arith.constant 0 : i32
      %dma_wait3A_42 = tpu.memref_slice %arg7[%run_scoped3A, %dma_wait3A] : memref<2x128xi32, #tpu.memory_space<vmem>> -> memref<1x128xi32, #tpu.memory_space<vmem>>
      %dma_wait3A_43 = tpu.memref_squeeze %dma_wait3A_42 : memref<1x128xi32, #tpu.memory_space<vmem>> -> memref<128xi32, #tpu.memory_space<vmem>>
      %dma_wait3A_44 = tpu.memref_slice %arg3[%add3A_9] : memref<327680xi32, #tpu.memory_space<hbm>> -> memref<128xi32, #tpu.memory_space<hbm>>
      %dma_wait3A_45 = arith.constant 0 : i32
      %dma_wait3A_46 = tpu.memref_slice %arg7[%run_scoped3A, %dma_wait3A_45] : memref<2x128xi32, #tpu.memory_space<vmem>> -> memref<1x128xi32, #tpu.memory_space<vmem>>
      %dma_wait3A_47 = tpu.memref_squeeze %dma_wait3A_46 : memref<1x128xi32, #tpu.memory_space<vmem>> -> memref<128xi32, #tpu.memory_space<vmem>>
      %dma_wait3A_48 = tpu.memref_slice %arg3[%add3A_9] : memref<327680xi32, #tpu.memory_space<hbm>> -> memref<128xi32, #tpu.memory_space<hbm>>
      tpu.wait_dma2 semaphore(%run_scoped3A_33 : memref<!tpu.dma_semaphore, #tpu.memory_space<semaphore_mem>>) src(%dma_wait3A_48 : memref<128xi32, #tpu.memory_space<hbm>>) dst(%dma_wait3A_47 : memref<128xi32, #tpu.memory_space<vmem>>)
      tpu.yield
    }) : () -> ()
    %run_scoped3A_10 = arith.constant 0 : i32
    "tpu.region"() ({
      %run_scoped3A_33 = tpu.sem_alloc : memref<!tpu.dma_semaphore, #tpu.memory_space<semaphore_mem>>
      %dma_start3A_34 = arith.constant 0 : i32
      %dma_start3A_35 = tpu.memref_slice %arg8[%run_scoped3A_10, %dma_start3A_34] : memref<2x128xi32, #tpu.memory_space<vmem>> -> memref<1x128xi32, #tpu.memory_space<vmem>>
      %dma_start3A_36 = tpu.memref_squeeze %dma_start3A_35 : memref<1x128xi32, #tpu.memory_space<vmem>> -> memref<128xi32, #tpu.memory_space<vmem>>
      %dma_start3A_37 = tpu.memref_slice %arg4[%add3A_9] : memref<327680xi32, #tpu.memory_space<hbm>> -> memref<128xi32, #tpu.memory_space<hbm>>
      %dma_start3A_38 = arith.constant 0 : i32
      %dma_start3A_39 = tpu.memref_slice %arg8[%run_scoped3A_10, %dma_start3A_38] : memref<2x128xi32, #tpu.memory_space<vmem>> -> memref<1x128xi32, #tpu.memory_space<vmem>>
      %dma_start3A_40 = tpu.memref_squeeze %dma_start3A_39 : memref<1x128xi32, #tpu.memory_space<vmem>> -> memref<128xi32, #tpu.memory_space<vmem>>
      %dma_start3A_41 = tpu.memref_slice %arg4[%add3A_9] : memref<327680xi32, #tpu.memory_space<hbm>> -> memref<128xi32, #tpu.memory_space<hbm>>
      tpu.enqueue_dma source(%dma_start3A_41 : memref<128xi32, #tpu.memory_space<hbm>>) target(%dma_start3A_40 : memref<128xi32, #tpu.memory_space<vmem>>) target_semaphore(%run_scoped3A_33 : memref<!tpu.dma_semaphore, #tpu.memory_space<semaphore_mem>>)
      %dma_wait3A = arith.constant 0 : i32
      %dma_wait3A_42 = tpu.memref_slice %arg8[%run_scoped3A_10, %dma_wait3A] : memref<2x128xi32, #tpu.memory_space<vmem>> -> memref<1x128xi32, #tpu.memory_space<vmem>>
      %dma_wait3A_43 = tpu.memref_squeeze %dma_wait3A_42 : memref<1x128xi32, #tpu.memory_space<vmem>> -> memref<128xi32, #tpu.memory_space<vmem>>
      %dma_wait3A_44 = tpu.memref_slice %arg4[%add3A_9] : memref<327680xi32, #tpu.memory_space<hbm>> -> memref<128xi32, #tpu.memory_space<hbm>>
      %dma_wait3A_45 = arith.constant 0 : i32
      %dma_wait3A_46 = tpu.memref_slice %arg8[%run_scoped3A_10, %dma_wait3A_45] : memref<2x128xi32, #tpu.memory_space<vmem>> -> memref<1x128xi32, #tpu.memory_space<vmem>>
      %dma_wait3A_47 = tpu.memref_squeeze %dma_wait3A_46 : memref<1x128xi32, #tpu.memory_space<vmem>> -> memref<128xi32, #tpu.memory_space<vmem>>
      %dma_wait3A_48 = tpu.memref_slice %arg4[%add3A_9] : memref<327680xi32, #tpu.memory_space<hbm>> -> memref<128xi32, #tpu.memory_space<hbm>>
      tpu.wait_dma2 semaphore(%run_scoped3A_33 : memref<!tpu.dma_semaphore, #tpu.memory_space<semaphore_mem>>) src(%dma_wait3A_48 : memref<128xi32, #tpu.memory_space<hbm>>) dst(%dma_wait3A_47 : memref<128xi32, #tpu.memory_space<vmem>>)
      tpu.yield
    }) : () -> ()
    %dma_start3A = arith.constant 0 : i32
    %dma_start3A_11 = arith.constant 0 : i32
    %dma_start3A_12 = arith.constant 0 : i32
    %dma_start3A_13 = arith.constant 0 : i32
    %dma_start3A_14 = tpu.memref_slice %arg9[%dma_start3A_11, %dma_start3A_12, %dma_start3A_13] : memref<2x128x128xf32, #tpu.memory_space<vmem>> -> memref<1x128x128xf32, #tpu.memory_space<vmem>>
    %dma_start3A_15 = tpu.memref_squeeze %dma_start3A_14 : memref<1x128x128xf32, #tpu.memory_space<vmem>> -> memref<128x128xf32, #tpu.memory_space<vmem>>
    %dma_start3A_16 = arith.constant 0 : i32
    %dma_start3A_17 = tpu.memref_slice %arg7[%dma_start3A, %dma_start3A_16] : memref<2x128xi32, #tpu.memory_space<vmem>> -> memref<1x128xi32, #tpu.memory_space<vmem>>
    %dma_start3A_18 = tpu.memref_squeeze %dma_start3A_17 : memref<1x128xi32, #tpu.memory_space<vmem>> -> memref<128xi32, #tpu.memory_space<vmem>>
    %dma_start3A_19 = arith.constant 0 : i32
    %dma_start3A_20 = arith.constant 0 : i32
    %dma_start3A_21 = tpu.memref_slice %arg2[%dma_start3A_19, %dma_start3A_20] : memref<20000x128xf32, #tpu.memory_space<hbm>> -> memref<20000x128xf32, #tpu.memory_space<hbm>>
    tpu.enqueue_indirect_dma source(%dma_start3A_21 : memref<20000x128xf32, #tpu.memory_space<hbm>>) target(%dma_start3A_15 : memref<128x128xf32, #tpu.memory_space<vmem>>) offsets(%dma_start3A_18 : memref<128xi32, #tpu.memory_space<vmem>>) semaphore(%arg11 : memref<!tpu.dma_semaphore, #tpu.memory_space<semaphore_mem>>)
    %scan3A = arith.constant 0 : i32
    %scan3A_22 = arith.constant 59 : i32
    %scan3A_23 = arith.addi %scan3A, %scan3A_22 : i32
    %scan3A_24 = arith.constant 1 : i32
    scf.for %scan3A_33 = %scan3A to %scan3A_23 step %scan3A_24  : i32 {
      %mul3A_34 = arith.constant 1 : i32
      %mul3A_35 = arith.muli %scan3A_33, %mul3A_34 : i32
      %add3A_36 = arith.constant 0 : i32
      %add3A_37 = arith.addi %add3A_36, %mul3A_35 : i32
      %mul3A_38 = arith.constant 2 : i32
      %mul3A_39 = arith.muli %mul3A_38, %add3A_37 : i32
      %add3A_40 = arith.constant 0 : i32
      %add3A_41 = arith.addi %mul3A_39, %add3A_40 : i32
      %add3A_42 = arith.constant 1 : i32
      %add3A_43 = arith.addi %add3A_41, %add3A_42 : i32
      %lt3A_44 = arith.cmpi slt, %add3A_43, %add3A_3 : i32
      %convert_element_type3A_45 = arith.extui %lt3A_44 : i1 to i32
      %cond3A_46 = arith.constant 0 : i32
      %cond3A_47 = arith.cmpi ne, %convert_element_type3A_45, %cond3A_46 : i32
      scf.if %cond3A_47 {
        %add3A_66 = arith.constant 1 : i32
        %add3A_67 = arith.addi %add3A_41, %add3A_66 : i32
        %mul3A_68 = arith.constant 128 : i32
        %mul3A_69 = arith.muli %add3A_67, %mul3A_68 : i32
        %add3A_70 = arith.addi %add3A_9, %mul3A_69 : i32
        %run_scoped3A_71 = arith.constant 1 : i32
        "tpu.region"() ({
          %run_scoped3A_85 = tpu.sem_alloc : memref<!tpu.dma_semaphore, #tpu.memory_space<semaphore_mem>>
          %dma_start3A_86 = arith.constant 0 : i32
          %dma_start3A_87 = tpu.memref_slice %arg7[%run_scoped3A_71, %dma_start3A_86] : memref<2x128xi32, #tpu.memory_space<vmem>> -> memref<1x128xi32, #tpu.memory_space<vmem>>
          %dma_start3A_88 = tpu.memref_squeeze %dma_start3A_87 : memref<1x128xi32, #tpu.memory_space<vmem>> -> memref<128xi32, #tpu.memory_space<vmem>>
          %dma_start3A_89 = tpu.memref_slice %arg3[%add3A_70] : memref<327680xi32, #tpu.memory_space<hbm>> -> memref<128xi32, #tpu.memory_space<hbm>>
          %dma_start3A_90 = arith.constant 0 : i32
          %dma_start3A_91 = tpu.memref_slice %arg7[%run_scoped3A_71, %dma_start3A_90] : memref<2x128xi32, #tpu.memory_space<vmem>> -> memref<1x128xi32, #tpu.memory_space<vmem>>
          %dma_start3A_92 = tpu.memref_squeeze %dma_start3A_91 : memref<1x128xi32, #tpu.memory_space<vmem>> -> memref<128xi32, #tpu.memory_space<vmem>>
          %dma_start3A_93 = tpu.memref_slice %arg3[%add3A_70] : memref<327680xi32, #tpu.memory_space<hbm>> -> memref<128xi32, #tpu.memory_space<hbm>>
          tpu.enqueue_dma source(%dma_start3A_93 : memref<128xi32, #tpu.memory_space<hbm>>) target(%dma_start3A_92 : memref<128xi32, #tpu.memory_space<vmem>>) target_semaphore(%run_scoped3A_85 : memref<!tpu.dma_semaphore, #tpu.memory_space<semaphore_mem>>)
          %dma_wait3A = arith.constant 0 : i32
          %dma_wait3A_94 = tpu.memref_slice %arg7[%run_scoped3A_71, %dma_wait3A] : memref<2x128xi32, #tpu.memory_space<vmem>> -> memref<1x128xi32, #tpu.memory_space<vmem>>
          %dma_wait3A_95 = tpu.memref_squeeze %dma_wait3A_94 : memref<1x128xi32, #tpu.memory_space<vmem>> -> memref<128xi32, #tpu.memory_space<vmem>>
          %dma_wait3A_96 = tpu.memref_slice %arg3[%add3A_70] : memref<327680xi32, #tpu.memory_space<hbm>> -> memref<128xi32, #tpu.memory_space<hbm>>
          %dma_wait3A_97 = arith.constant 0 : i32
          %dma_wait3A_98 = tpu.memref_slice %arg7[%run_scoped3A_71, %dma_wait3A_97] : memref<2x128xi32, #tpu.memory_space<vmem>> -> memref<1x128xi32, #tpu.memory_space<vmem>>
          %dma_wait3A_99 = tpu.memref_squeeze %dma_wait3A_98 : memref<1x128xi32, #tpu.memory_space<vmem>> -> memref<128xi32, #tpu.memory_space<vmem>>
          %dma_wait3A_100 = tpu.memref_slice %arg3[%add3A_70] : memref<327680xi32, #tpu.memory_space<hbm>> -> memref<128xi32, #tpu.memory_space<hbm>>
          tpu.wait_dma2 semaphore(%run_scoped3A_85 : memref<!tpu.dma_semaphore, #tpu.memory_space<semaphore_mem>>) src(%dma_wait3A_100 : memref<128xi32, #tpu.memory_space<hbm>>) dst(%dma_wait3A_99 : memref<128xi32, #tpu.memory_space<vmem>>)
          tpu.yield
        }) : () -> ()
        %run_scoped3A_72 = arith.constant 1 : i32
        "tpu.region"() ({
          %run_scoped3A_85 = tpu.sem_alloc : memref<!tpu.dma_semaphore, #tpu.memory_space<semaphore_mem>>
          %dma_start3A_86 = arith.constant 0 : i32
          %dma_start3A_87 = tpu.memref_slice %arg8[%run_scoped3A_72, %dma_start3A_86] : memref<2x128xi32, #tpu.memory_space<vmem>> -> memref<1x128xi32, #tpu.memory_space<vmem>>
          %dma_start3A_88 = tpu.memref_squeeze %dma_start3A_87 : memref<1x128xi32, #tpu.memory_space<vmem>> -> memref<128xi32, #tpu.memory_space<vmem>>
          %dma_start3A_89 = tpu.memref_slice %arg4[%add3A_70] : memref<327680xi32, #tpu.memory_space<hbm>> -> memref<128xi32, #tpu.memory_space<hbm>>
          %dma_start3A_90 = arith.constant 0 : i32
          %dma_start3A_91 = tpu.memref_slice %arg8[%run_scoped3A_72, %dma_start3A_90] : memref<2x128xi32, #tpu.memory_space<vmem>> -> memref<1x128xi32, #tpu.memory_space<vmem>>
          %dma_start3A_92 = tpu.memref_squeeze %dma_start3A_91 : memref<1x128xi32, #tpu.memory_space<vmem>> -> memref<128xi32, #tpu.memory_space<vmem>>
          %dma_start3A_93 = tpu.memref_slice %arg4[%add3A_70] : memref<327680xi32, #tpu.memory_space<hbm>> -> memref<128xi32, #tpu.memory_space<hbm>>
          tpu.enqueue_dma source(%dma_start3A_93 : memref<128xi32, #tpu.memory_space<hbm>>) target(%dma_start3A_92 : memref<128xi32, #tpu.memory_space<vmem>>) target_semaphore(%run_scoped3A_85 : memref<!tpu.dma_semaphore, #tpu.memory_space<semaphore_mem>>)
          %dma_wait3A = arith.constant 0 : i32
          %dma_wait3A_94 = tpu.memref_slice %arg8[%run_scoped3A_72, %dma_wait3A] : memref<2x128xi32, #tpu.memory_space<vmem>> -> memref<1x128xi32, #tpu.memory_space<vmem>>
          %dma_wait3A_95 = tpu.memref_squeeze %dma_wait3A_94 : memref<1x128xi32, #tpu.memory_space<vmem>> -> memref<128xi32, #tpu.memory_space<vmem>>
          %dma_wait3A_96 = tpu.memref_slice %arg4[%add3A_70] : memref<327680xi32, #tpu.memory_space<hbm>> -> memref<128xi32, #tpu.memory_space<hbm>>
          %dma_wait3A_97 = arith.constant 0 : i32
          %dma_wait3A_98 = tpu.memref_slice %arg8[%run_scoped3A_72, %dma_wait3A_97] : memref<2x128xi32, #tpu.memory_space<vmem>> -> memref<1x128xi32, #tpu.memory_space<vmem>>
          %dma_wait3A_99 = tpu.memref_squeeze %dma_wait3A_98 : memref<1x128xi32, #tpu.memory_space<vmem>> -> memref<128xi32, #tpu.memory_space<vmem>>
          %dma_wait3A_100 = tpu.memref_slice %arg4[%add3A_70] : memref<327680xi32, #tpu.memory_space<hbm>> -> memref<128xi32, #tpu.memory_space<hbm>>
          tpu.wait_dma2 semaphore(%run_scoped3A_85 : memref<!tpu.dma_semaphore, #tpu.memory_space<semaphore_mem>>) src(%dma_wait3A_100 : memref<128xi32, #tpu.memory_space<hbm>>) dst(%dma_wait3A_99 : memref<128xi32, #tpu.memory_space<vmem>>)
          tpu.yield
        }) : () -> ()
        %dma_start3A_73 = arith.constant 1 : i32
        %dma_start3A_74 = arith.constant 1 : i32
        %dma_start3A_75 = arith.constant 0 : i32
        %dma_start3A_76 = arith.constant 0 : i32
        %dma_start3A_77 = tpu.memref_slice %arg9[%dma_start3A_74, %dma_start3A_75, %dma_start3A_76] : memref<2x128x128xf32, #tpu.memory_space<vmem>> -> memref<1x128x128xf32, #tpu.memory_space<vmem>>
        %dma_start3A_78 = tpu.memref_squeeze %dma_start3A_77 : memref<1x128x128xf32, #tpu.memory_space<vmem>> -> memref<128x128xf32, #tpu.memory_space<vmem>>
        %dma_start3A_79 = arith.constant 0 : i32
        %dma_start3A_80 = tpu.memref_slice %arg7[%dma_start3A_73, %dma_start3A_79] : memref<2x128xi32, #tpu.memory_space<vmem>> -> memref<1x128xi32, #tpu.memory_space<vmem>>
        %dma_start3A_81 = tpu.memref_squeeze %dma_start3A_80 : memref<1x128xi32, #tpu.memory_space<vmem>> -> memref<128xi32, #tpu.memory_space<vmem>>
        %dma_start3A_82 = arith.constant 0 : i32
        %dma_start3A_83 = arith.constant 0 : i32
        %dma_start3A_84 = tpu.memref_slice %arg2[%dma_start3A_82, %dma_start3A_83] : memref<20000x128xf32, #tpu.memory_space<hbm>> -> memref<20000x128xf32, #tpu.memory_space<hbm>>
        tpu.enqueue_indirect_dma source(%dma_start3A_84 : memref<20000x128xf32, #tpu.memory_space<hbm>>) target(%dma_start3A_78 : memref<128x128xf32, #tpu.memory_space<vmem>>) offsets(%dma_start3A_81 : memref<128xi32, #tpu.memory_space<vmem>>) semaphore(%arg12 : memref<!tpu.dma_semaphore, #tpu.memory_space<semaphore_mem>>)
      } else {
      }
      %lt3A_48 = arith.cmpi slt, %add3A_41, %add3A_3 : i32
      %convert_element_type3A_49 = arith.extui %lt3A_48 : i1 to i32
      %cond3A_50 = arith.constant 0 : i32
      %cond3A_51 = arith.cmpi ne, %convert_element_type3A_49, %cond3A_50 : i32
      scf.if %cond3A_51 {
        %dma_wait3A = arith.constant 0 : i32
        %dma_wait3A_66 = arith.constant 0 : i32
        %dma_wait3A_67 = arith.constant 0 : i32
        %dma_wait3A_68 = arith.constant 0 : i32
        %dma_wait3A_69 = tpu.memref_slice %arg9[%dma_wait3A_66, %dma_wait3A_67, %dma_wait3A_68] : memref<2x128x128xf32, #tpu.memory_space<vmem>> -> memref<1x128x128xf32, #tpu.memory_space<vmem>>
        %dma_wait3A_70 = tpu.memref_squeeze %dma_wait3A_69 : memref<1x128x128xf32, #tpu.memory_space<vmem>> -> memref<128x128xf32, #tpu.memory_space<vmem>>
        %dma_wait3A_71 = arith.constant 0 : i32
        %dma_wait3A_72 = tpu.memref_slice %arg7[%dma_wait3A, %dma_wait3A_71] : memref<2x128xi32, #tpu.memory_space<vmem>> -> memref<1x128xi32, #tpu.memory_space<vmem>>
        %dma_wait3A_73 = tpu.memref_squeeze %dma_wait3A_72 : memref<1x128xi32, #tpu.memory_space<vmem>> -> memref<128xi32, #tpu.memory_space<vmem>>
        %dma_wait3A_74 = arith.constant 0 : i32
        %dma_wait3A_75 = arith.constant 0 : i32
        %dma_wait3A_76 = tpu.memref_slice %arg2[%dma_wait3A_74, %dma_wait3A_75] : memref<20000x128xf32, #tpu.memory_space<hbm>> -> memref<20000x128xf32, #tpu.memory_space<hbm>>
        tpu.wait_indirect_dma semaphore(%arg11 : memref<!tpu.dma_semaphore, #tpu.memory_space<semaphore_mem>>) src(%dma_wait3A_76 : memref<20000x128xf32, #tpu.memory_space<hbm>>) dst(%dma_wait3A_70 : memref<128x128xf32, #tpu.memory_space<vmem>>)
        %run_scoped3A_77 = arith.constant 0 : i32
        %run_scoped3A_78 = arith.constant 0 : i32
        "tpu.region"() ({
          %run_scoped3A_79 = tpu.sem_alloc : memref<!tpu.dma_semaphore, #tpu.memory_space<semaphore_mem>>
          %dma_start3A_80 = arith.constant 0 : i32
          %dma_start3A_81 = arith.constant 0 : i32
          %dma_start3A_82 = tpu.memref_slice %arg9[%run_scoped3A_77, %dma_start3A_80, %dma_start3A_81] : memref<2x128x128xf32, #tpu.memory_space<vmem>> -> memref<1x128x128xf32, #tpu.memory_space<vmem>>
          %dma_start3A_83 = tpu.memref_squeeze %dma_start3A_82 : memref<1x128x128xf32, #tpu.memory_space<vmem>> -> memref<128x128xf32, #tpu.memory_space<vmem>>
          %dma_start3A_84 = arith.constant 0 : i32
          %dma_start3A_85 = tpu.memref_slice %arg8[%run_scoped3A_78, %dma_start3A_84] : memref<2x128xi32, #tpu.memory_space<vmem>> -> memref<1x128xi32, #tpu.memory_space<vmem>>
          %dma_start3A_86 = tpu.memref_squeeze %dma_start3A_85 : memref<1x128xi32, #tpu.memory_space<vmem>> -> memref<128xi32, #tpu.memory_space<vmem>>
          %dma_start3A_87 = arith.constant 0 : i32
          %dma_start3A_88 = arith.constant 0 : i32
          %dma_start3A_89 = tpu.memref_slice %arg10[%dma_start3A_87, %dma_start3A_88] : memref<10112x128xf32, #tpu.memory_space<vmem_shared>> -> memref<10112x128xf32, #tpu.memory_space<vmem_shared>>
          tpu.enqueue_indirect_dma source(%dma_start3A_83 : memref<128x128xf32, #tpu.memory_space<vmem>>) target(%dma_start3A_89 : memref<10112x128xf32, #tpu.memory_space<vmem_shared>>) offsets(%dma_start3A_86 : memref<128xi32, #tpu.memory_space<vmem>>) semaphore(%run_scoped3A_79 : memref<!tpu.dma_semaphore, #tpu.memory_space<semaphore_mem>>) {add = true}
          %dma_wait3A_90 = arith.constant 0 : i32
          %dma_wait3A_91 = arith.constant 0 : i32
          %dma_wait3A_92 = tpu.memref_slice %arg9[%run_scoped3A_77, %dma_wait3A_90, %dma_wait3A_91] : memref<2x128x128xf32, #tpu.memory_space<vmem>> -> memref<1x128x128xf32, #tpu.memory_space<vmem>>
          %dma_wait3A_93 = tpu.memref_squeeze %dma_wait3A_92 : memref<1x128x128xf32, #tpu.memory_space<vmem>> -> memref<128x128xf32, #tpu.memory_space<vmem>>
          %dma_wait3A_94 = arith.constant 0 : i32
          %dma_wait3A_95 = tpu.memref_slice %arg8[%run_scoped3A_78, %dma_wait3A_94] : memref<2x128xi32, #tpu.memory_space<vmem>> -> memref<1x128xi32, #tpu.memory_space<vmem>>
          %dma_wait3A_96 = tpu.memref_squeeze %dma_wait3A_95 : memref<1x128xi32, #tpu.memory_space<vmem>> -> memref<128xi32, #tpu.memory_space<vmem>>
          %dma_wait3A_97 = arith.constant 0 : i32
          %dma_wait3A_98 = arith.constant 0 : i32
          %dma_wait3A_99 = tpu.memref_slice %arg10[%dma_wait3A_97, %dma_wait3A_98] : memref<10112x128xf32, #tpu.memory_space<vmem_shared>> -> memref<10112x128xf32, #tpu.memory_space<vmem_shared>>
          tpu.wait_indirect_dma semaphore(%run_scoped3A_79 : memref<!tpu.dma_semaphore, #tpu.memory_space<semaphore_mem>>) src(%dma_wait3A_93 : memref<128x128xf32, #tpu.memory_space<vmem>>) dst(%dma_wait3A_99 : memref<10112x128xf32, #tpu.memory_space<vmem_shared>>)
          tpu.yield
        }) : () -> ()
      } else {
      }
      %mul3A_52 = arith.constant 2 : i32
      %mul3A_53 = arith.muli %mul3A_52, %add3A_37 : i32
      %add3A_54 = arith.constant 1 : i32
      %add3A_55 = arith.addi %mul3A_53, %add3A_54 : i32
      %add3A_56 = arith.constant 1 : i32
      %add3A_57 = arith.addi %add3A_55, %add3A_56 : i32
      %lt3A_58 = arith.cmpi slt, %add3A_57, %add3A_3 : i32
      %convert_element_type3A_59 = arith.extui %lt3A_58 : i1 to i32
      %cond3A_60 = arith.constant 0 : i32
      %cond3A_61 = arith.cmpi ne, %convert_element_type3A_59, %cond3A_60 : i32
      scf.if %cond3A_61 {
        %add3A_66 = arith.constant 1 : i32
        %add3A_67 = arith.addi %add3A_55, %add3A_66 : i32
        %mul3A_68 = arith.constant 128 : i32
        %mul3A_69 = arith.muli %add3A_67, %mul3A_68 : i32
        %add3A_70 = arith.addi %add3A_9, %mul3A_69 : i32
        %run_scoped3A_71 = arith.constant 0 : i32
        "tpu.region"() ({
          %run_scoped3A_85 = tpu.sem_alloc : memref<!tpu.dma_semaphore, #tpu.memory_space<semaphore_mem>>
          %dma_start3A_86 = arith.constant 0 : i32
          %dma_start3A_87 = tpu.memref_slice %arg7[%run_scoped3A_71, %dma_start3A_86] : memref<2x128xi32, #tpu.memory_space<vmem>> -> memref<1x128xi32, #tpu.memory_space<vmem>>
          %dma_start3A_88 = tpu.memref_squeeze %dma_start3A_87 : memref<1x128xi32, #tpu.memory_space<vmem>> -> memref<128xi32, #tpu.memory_space<vmem>>
          %dma_start3A_89 = tpu.memref_slice %arg3[%add3A_70] : memref<327680xi32, #tpu.memory_space<hbm>> -> memref<128xi32, #tpu.memory_space<hbm>>
          %dma_start3A_90 = arith.constant 0 : i32
          %dma_start3A_91 = tpu.memref_slice %arg7[%run_scoped3A_71, %dma_start3A_90] : memref<2x128xi32, #tpu.memory_space<vmem>> -> memref<1x128xi32, #tpu.memory_space<vmem>>
          %dma_start3A_92 = tpu.memref_squeeze %dma_start3A_91 : memref<1x128xi32, #tpu.memory_space<vmem>> -> memref<128xi32, #tpu.memory_space<vmem>>
          %dma_start3A_93 = tpu.memref_slice %arg3[%add3A_70] : memref<327680xi32, #tpu.memory_space<hbm>> -> memref<128xi32, #tpu.memory_space<hbm>>
          tpu.enqueue_dma source(%dma_start3A_93 : memref<128xi32, #tpu.memory_space<hbm>>) target(%dma_start3A_92 : memref<128xi32, #tpu.memory_space<vmem>>) target_semaphore(%run_scoped3A_85 : memref<!tpu.dma_semaphore, #tpu.memory_space<semaphore_mem>>)
          %dma_wait3A = arith.constant 0 : i32
          %dma_wait3A_94 = tpu.memref_slice %arg7[%run_scoped3A_71, %dma_wait3A] : memref<2x128xi32, #tpu.memory_space<vmem>> -> memref<1x128xi32, #tpu.memory_space<vmem>>
          %dma_wait3A_95 = tpu.memref_squeeze %dma_wait3A_94 : memref<1x128xi32, #tpu.memory_space<vmem>> -> memref<128xi32, #tpu.memory_space<vmem>>
          %dma_wait3A_96 = tpu.memref_slice %arg3[%add3A_70] : memref<327680xi32, #tpu.memory_space<hbm>> -> memref<128xi32, #tpu.memory_space<hbm>>
          %dma_wait3A_97 = arith.constant 0 : i32
          %dma_wait3A_98 = tpu.memref_slice %arg7[%run_scoped3A_71, %dma_wait3A_97] : memref<2x128xi32, #tpu.memory_space<vmem>> -> memref<1x128xi32, #tpu.memory_space<vmem>>
          %dma_wait3A_99 = tpu.memref_squeeze %dma_wait3A_98 : memref<1x128xi32, #tpu.memory_space<vmem>> -> memref<128xi32, #tpu.memory_space<vmem>>
          %dma_wait3A_100 = tpu.memref_slice %arg3[%add3A_70] : memref<327680xi32, #tpu.memory_space<hbm>> -> memref<128xi32, #tpu.memory_space<hbm>>
          tpu.wait_dma2 semaphore(%run_scoped3A_85 : memref<!tpu.dma_semaphore, #tpu.memory_space<semaphore_mem>>) src(%dma_wait3A_100 : memref<128xi32, #tpu.memory_space<hbm>>) dst(%dma_wait3A_99 : memref<128xi32, #tpu.memory_space<vmem>>)
          tpu.yield
        }) : () -> ()
        %run_scoped3A_72 = arith.constant 0 : i32
        "tpu.region"() ({
          %run_scoped3A_85 = tpu.sem_alloc : memref<!tpu.dma_semaphore, #tpu.memory_space<semaphore_mem>>
          %dma_start3A_86 = arith.constant 0 : i32
          %dma_start3A_87 = tpu.memref_slice %arg8[%run_scoped3A_72, %dma_start3A_86] : memref<2x128xi32, #tpu.memory_space<vmem>> -> memref<1x128xi32, #tpu.memory_space<vmem>>
          %dma_start3A_88 = tpu.memref_squeeze %dma_start3A_87 : memref<1x128xi32, #tpu.memory_space<vmem>> -> memref<128xi32, #tpu.memory_space<vmem>>
          %dma_start3A_89 = tpu.memref_slice %arg4[%add3A_70] : memref<327680xi32, #tpu.memory_space<hbm>> -> memref<128xi32, #tpu.memory_space<hbm>>
          %dma_start3A_90 = arith.constant 0 : i32
          %dma_start3A_91 = tpu.memref_slice %arg8[%run_scoped3A_72, %dma_start3A_90] : memref<2x128xi32, #tpu.memory_space<vmem>> -> memref<1x128xi32, #tpu.memory_space<vmem>>
          %dma_start3A_92 = tpu.memref_squeeze %dma_start3A_91 : memref<1x128xi32, #tpu.memory_space<vmem>> -> memref<128xi32, #tpu.memory_space<vmem>>
          %dma_start3A_93 = tpu.memref_slice %arg4[%add3A_70] : memref<327680xi32, #tpu.memory_space<hbm>> -> memref<128xi32, #tpu.memory_space<hbm>>
          tpu.enqueue_dma source(%dma_start3A_93 : memref<128xi32, #tpu.memory_space<hbm>>) target(%dma_start3A_92 : memref<128xi32, #tpu.memory_space<vmem>>) target_semaphore(%run_scoped3A_85 : memref<!tpu.dma_semaphore, #tpu.memory_space<semaphore_mem>>)
          %dma_wait3A = arith.constant 0 : i32
          %dma_wait3A_94 = tpu.memref_slice %arg8[%run_scoped3A_72, %dma_wait3A] : memref<2x128xi32, #tpu.memory_space<vmem>> -> memref<1x128xi32, #tpu.memory_space<vmem>>
          %dma_wait3A_95 = tpu.memref_squeeze %dma_wait3A_94 : memref<1x128xi32, #tpu.memory_space<vmem>> -> memref<128xi32, #tpu.memory_space<vmem>>
          %dma_wait3A_96 = tpu.memref_slice %arg4[%add3A_70] : memref<327680xi32, #tpu.memory_space<hbm>> -> memref<128xi32, #tpu.memory_space<hbm>>
          %dma_wait3A_97 = arith.constant 0 : i32
          %dma_wait3A_98 = tpu.memref_slice %arg8[%run_scoped3A_72, %dma_wait3A_97] : memref<2x128xi32, #tpu.memory_space<vmem>> -> memref<1x128xi32, #tpu.memory_space<vmem>>
          %dma_wait3A_99 = tpu.memref_squeeze %dma_wait3A_98 : memref<1x128xi32, #tpu.memory_space<vmem>> -> memref<128xi32, #tpu.memory_space<vmem>>
          %dma_wait3A_100 = tpu.memref_slice %arg4[%add3A_70] : memref<327680xi32, #tpu.memory_space<hbm>> -> memref<128xi32, #tpu.memory_space<hbm>>
          tpu.wait_dma2 semaphore(%run_scoped3A_85 : memref<!tpu.dma_semaphore, #tpu.memory_space<semaphore_mem>>) src(%dma_wait3A_100 : memref<128xi32, #tpu.memory_space<hbm>>) dst(%dma_wait3A_99 : memref<128xi32, #tpu.memory_space<vmem>>)
          tpu.yield
        }) : () -> ()
        %dma_start3A_73 = arith.constant 0 : i32
        %dma_start3A_74 = arith.constant 0 : i32
        %dma_start3A_75 = arith.constant 0 : i32
        %dma_start3A_76 = arith.constant 0 : i32
        %dma_start3A_77 = tpu.memref_slice %arg9[%dma_start3A_74, %dma_start3A_75, %dma_start3A_76] : memref<2x128x128xf32, #tpu.memory_space<vmem>> -> memref<1x128x128xf32, #tpu.memory_space<vmem>>
        %dma_start3A_78 = tpu.memref_squeeze %dma_start3A_77 : memref<1x128x128xf32, #tpu.memory_space<vmem>> -> memref<128x128xf32, #tpu.memory_space<vmem>>
        %dma_start3A_79 = arith.constant 0 : i32
        %dma_start3A_80 = tpu.memref_slice %arg7[%dma_start3A_73, %dma_start3A_79] : memref<2x128xi32, #tpu.memory_space<vmem>> -> memref<1x128xi32, #tpu.memory_space<vmem>>
        %dma_start3A_81 = tpu.memref_squeeze %dma_start3A_80 : memref<1x128xi32, #tpu.memory_space<vmem>> -> memref<128xi32, #tpu.memory_space<vmem>>
        %dma_start3A_82 = arith.constant 0 : i32
        %dma_start3A_83 = arith.constant 0 : i32
        %dma_start3A_84 = tpu.memref_slice %arg2[%dma_start3A_82, %dma_start3A_83] : memref<20000x128xf32, #tpu.memory_space<hbm>> -> memref<20000x128xf32, #tpu.memory_space<hbm>>
        tpu.enqueue_indirect_dma source(%dma_start3A_84 : memref<20000x128xf32, #tpu.memory_space<hbm>>) target(%dma_start3A_78 : memref<128x128xf32, #tpu.memory_space<vmem>>) offsets(%dma_start3A_81 : memref<128xi32, #tpu.memory_space<vmem>>) semaphore(%arg11 : memref<!tpu.dma_semaphore, #tpu.memory_space<semaphore_mem>>)
      } else {
      }
      %lt3A_62 = arith.cmpi slt, %add3A_55, %add3A_3 : i32
      %convert_element_type3A_63 = arith.extui %lt3A_62 : i1 to i32
      %cond3A_64 = arith.constant 0 : i32
      %cond3A_65 = arith.cmpi ne, %convert_element_type3A_63, %cond3A_64 : i32
      scf.if %cond3A_65 {
        %dma_wait3A = arith.constant 1 : i32
        %dma_wait3A_66 = arith.constant 1 : i32
        %dma_wait3A_67 = arith.constant 0 : i32
        %dma_wait3A_68 = arith.constant 0 : i32
        %dma_wait3A_69 = tpu.memref_slice %arg9[%dma_wait3A_66, %dma_wait3A_67, %dma_wait3A_68] : memref<2x128x128xf32, #tpu.memory_space<vmem>> -> memref<1x128x128xf32, #tpu.memory_space<vmem>>
        %dma_wait3A_70 = tpu.memref_squeeze %dma_wait3A_69 : memref<1x128x128xf32, #tpu.memory_space<vmem>> -> memref<128x128xf32, #tpu.memory_space<vmem>>
        %dma_wait3A_71 = arith.constant 0 : i32
        %dma_wait3A_72 = tpu.memref_slice %arg7[%dma_wait3A, %dma_wait3A_71] : memref<2x128xi32, #tpu.memory_space<vmem>> -> memref<1x128xi32, #tpu.memory_space<vmem>>
        %dma_wait3A_73 = tpu.memref_squeeze %dma_wait3A_72 : memref<1x128xi32, #tpu.memory_space<vmem>> -> memref<128xi32, #tpu.memory_space<vmem>>
        %dma_wait3A_74 = arith.constant 0 : i32
        %dma_wait3A_75 = arith.constant 0 : i32
        %dma_wait3A_76 = tpu.memref_slice %arg2[%dma_wait3A_74, %dma_wait3A_75] : memref<20000x128xf32, #tpu.memory_space<hbm>> -> memref<20000x128xf32, #tpu.memory_space<hbm>>
        tpu.wait_indirect_dma semaphore(%arg12 : memref<!tpu.dma_semaphore, #tpu.memory_space<semaphore_mem>>) src(%dma_wait3A_76 : memref<20000x128xf32, #tpu.memory_space<hbm>>) dst(%dma_wait3A_70 : memref<128x128xf32, #tpu.memory_space<vmem>>)
        %run_scoped3A_77 = arith.constant 1 : i32
        %run_scoped3A_78 = arith.constant 1 : i32
        "tpu.region"() ({
          %run_scoped3A_79 = tpu.sem_alloc : memref<!tpu.dma_semaphore, #tpu.memory_space<semaphore_mem>>
          %dma_start3A_80 = arith.constant 0 : i32
          %dma_start3A_81 = arith.constant 0 : i32
          %dma_start3A_82 = tpu.memref_slice %arg9[%run_scoped3A_77, %dma_start3A_80, %dma_start3A_81] : memref<2x128x128xf32, #tpu.memory_space<vmem>> -> memref<1x128x128xf32, #tpu.memory_space<vmem>>
          %dma_start3A_83 = tpu.memref_squeeze %dma_start3A_82 : memref<1x128x128xf32, #tpu.memory_space<vmem>> -> memref<128x128xf32, #tpu.memory_space<vmem>>
          %dma_start3A_84 = arith.constant 0 : i32
          %dma_start3A_85 = tpu.memref_slice %arg8[%run_scoped3A_78, %dma_start3A_84] : memref<2x128xi32, #tpu.memory_space<vmem>> -> memref<1x128xi32, #tpu.memory_space<vmem>>
          %dma_start3A_86 = tpu.memref_squeeze %dma_start3A_85 : memref<1x128xi32, #tpu.memory_space<vmem>> -> memref<128xi32, #tpu.memory_space<vmem>>
          %dma_start3A_87 = arith.constant 0 : i32
          %dma_start3A_88 = arith.constant 0 : i32
          %dma_start3A_89 = tpu.memref_slice %arg10[%dma_start3A_87, %dma_start3A_88] : memref<10112x128xf32, #tpu.memory_space<vmem_shared>> -> memref<10112x128xf32, #tpu.memory_space<vmem_shared>>
          tpu.enqueue_indirect_dma source(%dma_start3A_83 : memref<128x128xf32, #tpu.memory_space<vmem>>) target(%dma_start3A_89 : memref<10112x128xf32, #tpu.memory_space<vmem_shared>>) offsets(%dma_start3A_86 : memref<128xi32, #tpu.memory_space<vmem>>) semaphore(%run_scoped3A_79 : memref<!tpu.dma_semaphore, #tpu.memory_space<semaphore_mem>>) {add = true}
          %dma_wait3A_90 = arith.constant 0 : i32
          %dma_wait3A_91 = arith.constant 0 : i32
          %dma_wait3A_92 = tpu.memref_slice %arg9[%run_scoped3A_77, %dma_wait3A_90, %dma_wait3A_91] : memref<2x128x128xf32, #tpu.memory_space<vmem>> -> memref<1x128x128xf32, #tpu.memory_space<vmem>>
          %dma_wait3A_93 = tpu.memref_squeeze %dma_wait3A_92 : memref<1x128x128xf32, #tpu.memory_space<vmem>> -> memref<128x128xf32, #tpu.memory_space<vmem>>
          %dma_wait3A_94 = arith.constant 0 : i32
          %dma_wait3A_95 = tpu.memref_slice %arg8[%run_scoped3A_78, %dma_wait3A_94] : memref<2x128xi32, #tpu.memory_space<vmem>> -> memref<1x128xi32, #tpu.memory_space<vmem>>
          %dma_wait3A_96 = tpu.memref_squeeze %dma_wait3A_95 : memref<1x128xi32, #tpu.memory_space<vmem>> -> memref<128xi32, #tpu.memory_space<vmem>>
          %dma_wait3A_97 = arith.constant 0 : i32
          %dma_wait3A_98 = arith.constant 0 : i32
          %dma_wait3A_99 = tpu.memref_slice %arg10[%dma_wait3A_97, %dma_wait3A_98] : memref<10112x128xf32, #tpu.memory_space<vmem_shared>> -> memref<10112x128xf32, #tpu.memory_space<vmem_shared>>
          tpu.wait_indirect_dma semaphore(%run_scoped3A_79 : memref<!tpu.dma_semaphore, #tpu.memory_space<semaphore_mem>>) src(%dma_wait3A_93 : memref<128x128xf32, #tpu.memory_space<vmem>>) dst(%dma_wait3A_99 : memref<10112x128xf32, #tpu.memory_space<vmem_shared>>)
          tpu.yield
        }) : () -> ()
      } else {
      }
    }
    %scan3A_25 = arith.constant 59 : i32
    %barrier3A_26 = arith.constant 0 : index
    tpu.barrier barrier_id(%barrier3A_26)
    %lt3A = arith.constant 15 : i32
    %lt3A_27 = arith.cmpi slt, %arg1, %lt3A : i32
    %convert_element_type3A = arith.extui %lt3A_27 : i1 to i32
    %cond3A = arith.constant 0 : i32
    %cond3A_28 = arith.cmpi ne, %convert_element_type3A, %cond3A : i32
    scf.if %cond3A_28 {
      %mul3A_33 = arith.constant 632 : i32
      %mul3A_34 = arith.muli %arg1, %mul3A_33 : i32
      %mul3A_35 = arith.constant 10000 : i32
      %mul3A_36 = arith.muli %arg0, %mul3A_35 : i32
      %add3A_37 = arith.addi %mul3A_36, %mul3A_34 : i32
      "tpu.region"() ({
        %run_scoped3A_38 = tpu.sem_alloc : memref<!tpu.dma_semaphore, #tpu.memory_space<semaphore_mem>>
        %dma_start3A_39 = arith.constant 0 : i32
        %dma_start3A_40 = tpu.memref_slice %arg6[%add3A_37, %dma_start3A_39] : memref<20000x128xf32, #tpu.memory_space<hbm>> -> memref<632x128xf32, #tpu.memory_space<hbm>>
        %dma_start3A_41 = arith.constant 0 : i32
        %dma_start3A_42 = tpu.memref_slice %arg10[%mul3A_34, %dma_start3A_41] : memref<10112x128xf32, #tpu.memory_space<vmem_shared>> -> memref<632x128xf32, #tpu.memory_space<vmem_shared>>
        tpu.enqueue_dma source(%dma_start3A_42 : memref<632x128xf32, #tpu.memory_space<vmem_shared>>) target(%dma_start3A_40 : memref<632x128xf32, #tpu.memory_space<hbm>>) target_semaphore(%run_scoped3A_38 : memref<!tpu.dma_semaphore, #tpu.memory_space<semaphore_mem>>)
        %dma_wait3A = arith.constant 0 : i32
        %dma_wait3A_43 = tpu.memref_slice %arg6[%add3A_37, %dma_wait3A] : memref<20000x128xf32, #tpu.memory_space<hbm>> -> memref<632x128xf32, #tpu.memory_space<hbm>>
        %dma_wait3A_44 = arith.constant 0 : i32
        %dma_wait3A_45 = tpu.memref_slice %arg10[%mul3A_34, %dma_wait3A_44] : memref<10112x128xf32, #tpu.memory_space<vmem_shared>> -> memref<632x128xf32, #tpu.memory_space<vmem_shared>>
        tpu.wait_dma2 semaphore(%run_scoped3A_38 : memref<!tpu.dma_semaphore, #tpu.memory_space<semaphore_mem>>) src(%dma_wait3A_45 : memref<632x128xf32, #tpu.memory_space<vmem_shared>>) dst(%dma_wait3A_43 : memref<632x128xf32, #tpu.memory_space<hbm>>)
        tpu.yield
      }) : () -> ()
    } else {
    }
    %eq3A = arith.constant 15 : i32
    %eq3A_29 = arith.cmpi eq, %arg1, %eq3A : i32
    %convert_element_type3A_30 = arith.extui %eq3A_29 : i1 to i32
    %cond3A_31 = arith.constant 0 : i32
    %cond3A_32 = arith.cmpi ne, %convert_element_type3A_30, %cond3A_31 : i32
    scf.if %cond3A_32 {
      %mul3A_33 = arith.constant 10000 : i32
      %mul3A_34 = arith.muli %arg0, %mul3A_33 : i32
      %add3A_35 = arith.constant 9480 : i32
      %add3A_36 = arith.addi %mul3A_34, %add3A_35 : i32
      "tpu.region"() ({
        %run_scoped3A_37 = tpu.sem_alloc : memref<!tpu.dma_semaphore, #tpu.memory_space<semaphore_mem>>
        %dma_start3A_38 = arith.constant 0 : i32
        %dma_start3A_39 = tpu.memref_slice %arg6[%add3A_36, %dma_start3A_38] : memref<20000x128xf32, #tpu.memory_space<hbm>> -> memref<520x128xf32, #tpu.memory_space<hbm>>
        %dma_start3A_40 = arith.constant 9480 : i32
        %dma_start3A_41 = arith.constant 0 : i32
        %dma_start3A_42 = tpu.memref_slice %arg10[%dma_start3A_40, %dma_start3A_41] : memref<10112x128xf32, #tpu.memory_space<vmem_shared>> -> memref<520x128xf32, #tpu.memory_space<vmem_shared>>
        tpu.enqueue_dma source(%dma_start3A_42 : memref<520x128xf32, #tpu.memory_space<vmem_shared>>) target(%dma_start3A_39 : memref<520x128xf32, #tpu.memory_space<hbm>>) target_semaphore(%run_scoped3A_37 : memref<!tpu.dma_semaphore, #tpu.memory_space<semaphore_mem>>)
        %dma_wait3A = arith.constant 0 : i32
        %dma_wait3A_43 = tpu.memref_slice %arg6[%add3A_36, %dma_wait3A] : memref<20000x128xf32, #tpu.memory_space<hbm>> -> memref<520x128xf32, #tpu.memory_space<hbm>>
        %dma_wait3A_44 = arith.constant 9480 : i32
        %dma_wait3A_45 = arith.constant 0 : i32
        %dma_wait3A_46 = tpu.memref_slice %arg10[%dma_wait3A_44, %dma_wait3A_45] : memref<10112x128xf32, #tpu.memory_space<vmem_shared>> -> memref<520x128xf32, #tpu.memory_space<vmem_shared>>
        tpu.wait_dma2 semaphore(%run_scoped3A_37 : memref<!tpu.dma_semaphore, #tpu.memory_space<semaphore_mem>>) src(%dma_wait3A_46 : memref<520x128xf32, #tpu.memory_space<vmem_shared>>) dst(%dma_wait3A_43 : memref<520x128xf32, #tpu.memory_space<hbm>>)
        tpu.yield
      }) : () -> ()
    } else {
    }
    return
  }
}

module attributes {stable_mosaic.version = 14 : i64} {
  func.func @body(%arg0: i32, %arg1: memref<1000x128xf32, #tpu.memory_space<vmem>>, %arg2: memref<1000x128xf32, #tpu.memory_space<vmem>>, %arg3: memref<1000x128xf32, #tpu.memory_space<vmem>>, %arg4: memref<1000x128xf32, #tpu.memory_space<vmem>>) attributes {dimension_semantics = [#tpu.dimension_semantics<arbitrary>], iteration_bounds = array<i64: 20>, scalar_prefetch = 0 : i64, scratch_operands = 0 : i64, tpu.core_type = #tpu.core_type<tc>, window_params = [{transform_indices = @transform_0, window_bounds = array<i64: 1000, 128>}, {transform_indices = @transform_1, window_bounds = array<i64: 1000, 128>}, {transform_indices = @transform_2, window_bounds = array<i64: 1000, 128>}, {transform_indices = @transform_3, window_bounds = array<i64: 1000, 128>}]} {
    %get3A = arith.constant 0 : index
    %get3A_0 = arith.constant 0 : index
    %get3A_1 = vector.load %arg3[%get3A, %get3A_0] : memref<1000x128xf32, #tpu.memory_space<vmem>>, vector<1000x128xf32>
    %get3A_2 = arith.constant 0 : index
    %get3A_3 = arith.constant 0 : index
    %get3A_4 = vector.load %arg1[%get3A_2, %get3A_3] : memref<1000x128xf32, #tpu.memory_space<vmem>>, vector<1000x128xf32>
    %slice3A = vector.extract_strided_slice %get3A_4 {offsets = [0, 0], sizes = [1000, 1], strides = [1, 1]} : vector<1000x128xf32> to vector<1000x1xf32>
    %get3A_5 = arith.constant 0 : index
    %get3A_6 = arith.constant 0 : index
    %get3A_7 = vector.load %arg2[%get3A_5, %get3A_6] : memref<1000x128xf32, #tpu.memory_space<vmem>>, vector<1000x128xf32>
    %slice3A_8 = vector.extract_strided_slice %get3A_7 {offsets = [0, 0], sizes = [1000, 1], strides = [1, 1]} : vector<1000x128xf32> to vector<1000x1xf32>
    %add3A = arith.addf %slice3A, %slice3A_8 : vector<1000x1xf32>
    %add3A_9 = arith.constant 1.000000e+00 : f32
    %add3A_10 = vector.broadcast %add3A_9 : f32 to vector<1000x1xf32>
    %add3A_11 = arith.addf %add3A, %add3A_10 : vector<1000x1xf32>
    %rsqrt3A = math.rsqrt %add3A_11 : vector<1000x1xf32>
    %mul3A = vector.broadcast %rsqrt3A : vector<1000x1xf32> to vector<1000x128xf32>
    %mul3A_12 = arith.mulf %get3A_1, %mul3A : vector<1000x128xf32>
    %swap3A = arith.constant 0 : index
    %swap3A_13 = arith.constant 0 : index
    %swap3A_14 = vector.load %arg4[%swap3A, %swap3A_13] : memref<1000x128xf32, #tpu.memory_space<vmem>>, vector<1000x128xf32>
    tpu.vector_store %arg4[%swap3A, %swap3A_13], %mul3A_12 {strides = array<i32>} : memref<1000x128xf32, #tpu.memory_space<vmem>>, vector<1000x128xf32>,
    return
  }
  func.func @transform_0(%arg0: i32) -> (i32, i32) {
    %jit3A = arith.constant 10 : i32
    %eq3A = arith.constant 0 : i32
    %eq3A_0 = arith.cmpi eq, %jit3A, %eq3A : i32
    %jit3A_1 = arith.constant 1 : i32
    %select_n3A = arith.select %eq3A_0, %jit3A_1, %jit3A : i32
    %rem3A = arith.remsi %arg0, %select_n3A : i32
    %ne3A = arith.constant 0 : i32
    %ne3A_2 = arith.cmpi ne, %rem3A, %ne3A : i32
    %lt3A = arith.constant 0 : i32
    %lt3A_3 = arith.cmpi slt, %rem3A, %lt3A : i32
    %lt3A_4 = arith.constant 0 : i32
    %lt3A_5 = arith.cmpi slt, %select_n3A, %lt3A_4 : i32
    %ne3A_6 = arith.xori %lt3A_3, %lt3A_5 : i1
    %and3A = arith.andi %ne3A_6, %ne3A_2 : i1
    %add3A = arith.addi %rem3A, %select_n3A : i32
    %select_n3A_7 = arith.select %and3A, %add3A, %rem3A : i32
    %c0_i32 = arith.constant 0 : i32
    %c0_i32_8 = arith.constant 0 : i32
    return %select_n3A_7, %c0_i32 : i32, i32
  }
  func.func @transform_1(%arg0: i32) -> (i32, i32) {
    %jit3A = arith.constant 10 : i32
    %eq3A = arith.constant 0 : i32
    %eq3A_0 = arith.cmpi eq, %jit3A, %eq3A : i32
    %jit3A_1 = arith.constant 1 : i32
    %select_n3A = arith.select %eq3A_0, %jit3A_1, %jit3A : i32
    %rem3A = arith.remsi %arg0, %select_n3A : i32
    %ne3A = arith.constant 0 : i32
    %ne3A_2 = arith.cmpi ne, %rem3A, %ne3A : i32
    %lt3A = arith.constant 0 : i32
    %lt3A_3 = arith.cmpi slt, %rem3A, %lt3A : i32
    %lt3A_4 = arith.constant 0 : i32
    %lt3A_5 = arith.cmpi slt, %select_n3A, %lt3A_4 : i32
    %ne3A_6 = arith.xori %lt3A_3, %lt3A_5 : i1
    %and3A = arith.andi %ne3A_6, %ne3A_2 : i1
    %add3A = arith.addi %rem3A, %select_n3A : i32
    %select_n3A_7 = arith.select %and3A, %add3A, %rem3A : i32
    %add3A_8 = arith.constant 10 : i32
    %add3A_9 = arith.addi %select_n3A_7, %add3A_8 : i32
    %c0_i32 = arith.constant 0 : i32
    %c0_i32_10 = arith.constant 0 : i32
    return %add3A_9, %c0_i32 : i32, i32
  }
  func.func @transform_2(%arg0: i32) -> (i32, i32) {
    %jit3A = arith.constant 10 : i32
    %eq3A = arith.constant 0 : i32
    %eq3A_0 = arith.cmpi eq, %jit3A, %eq3A : i32
    %jit3A_1 = arith.constant 1 : i32
    %select_n3A = arith.select %eq3A_0, %jit3A_1, %jit3A : i32
    %rem3A = arith.remsi %arg0, %select_n3A : i32
    %ne3A = arith.constant 0 : i32
    %ne3A_2 = arith.cmpi ne, %rem3A, %ne3A : i32
    %lt3A = arith.constant 0 : i32
    %lt3A_3 = arith.cmpi slt, %rem3A, %lt3A : i32
    %lt3A_4 = arith.constant 0 : i32
    %lt3A_5 = arith.cmpi slt, %select_n3A, %lt3A_4 : i32
    %ne3A_6 = arith.xori %lt3A_3, %lt3A_5 : i1
    %and3A = arith.andi %ne3A_6, %ne3A_2 : i1
    %add3A = arith.addi %rem3A, %select_n3A : i32
    %select_n3A_7 = arith.select %and3A, %add3A, %rem3A : i32
    %c0_i32 = arith.constant 0 : i32
    %c0_i32_8 = arith.constant 0 : i32
    return %select_n3A_7, %c0_i32 : i32, i32
  }
  func.func @transform_3(%arg0: i32) -> (i32, i32) {
    %c0_i32 = arith.constant 0 : i32
    %c0_i32_0 = arith.constant 0 : i32
    return %arg0, %c0_i32 : i32, i32
  }
}

module attributes {stable_mosaic.version = 14 : i64} {
  func.func @body(%arg0: i32, %arg1: memref<1000x128xf32, #tpu.memory_space<vmem>>, %arg2: memref<1000x128xf32, #tpu.memory_space<vmem>>, %arg3: memref<1000x128xf32, #tpu.memory_space<vmem>>, %arg4: memref<1000x128xf32, #tpu.memory_space<vmem>>, %arg5: memref<1000x128xf32, #tpu.memory_space<vmem>>, %arg6: memref<128x256xf32, #tpu.memory_space<vmem>>, %arg7: memref<8x256xf32, #tpu.memory_space<vmem>>, %arg8: memref<256x128xf32, #tpu.memory_space<vmem>>, %arg9: memref<1000x128xf32, #tpu.memory_space<vmem>>) attributes {dimension_semantics = [#tpu.dimension_semantics<arbitrary>], iteration_bounds = array<i64: 20>, scalar_prefetch = 0 : i64, scratch_operands = 0 : i64, tpu.core_type = #tpu.core_type<tc>, window_params = [{transform_indices = @transform_0, window_bounds = array<i64: 1000, 128>}, {transform_indices = @transform_1, window_bounds = array<i64: 1000, 128>}, {transform_indices = @transform_2, window_bounds = array<i64: 1000, 128>}, {transform_indices = @transform_3, window_bounds = array<i64: 1000, 128>}, {transform_indices = @transform_4, window_bounds = array<i64: 1000, 128>}, {pipeline_mode = #tpu.pipeline_mode<synchronous>, transform_indices = @transform_5, window_bounds = array<i64: 128, 256>}, {pipeline_mode = #tpu.pipeline_mode<synchronous>, transform_indices = @transform_6, window_bounds = array<i64: 8, 256>}, {pipeline_mode = #tpu.pipeline_mode<synchronous>, transform_indices = @transform_7, window_bounds = array<i64: 256, 128>}, {transform_indices = @transform_8, window_bounds = array<i64: 1000, 128>}]} {
    %get3A = arith.constant 0 : index
    %get3A_0 = arith.constant 0 : index
    %get3A_1 = vector.load %arg1[%get3A, %get3A_0] : memref<1000x128xf32, #tpu.memory_space<vmem>>, vector<1000x128xf32>
    %slice3A = vector.extract_strided_slice %get3A_1 {offsets = [0, 0], sizes = [1000, 1], strides = [1, 1]} : vector<1000x128xf32> to vector<1000x1xf32>
    %get3A_2 = arith.constant 0 : index
    %get3A_3 = arith.constant 0 : index
    %get3A_4 = vector.load %arg2[%get3A_2, %get3A_3] : memref<1000x128xf32, #tpu.memory_space<vmem>>, vector<1000x128xf32>
    %slice3A_5 = vector.extract_strided_slice %get3A_4 {offsets = [0, 0], sizes = [1000, 1], strides = [1, 1]} : vector<1000x128xf32> to vector<1000x1xf32>
    %add3A = arith.addf %slice3A, %slice3A_5 : vector<1000x1xf32>
    %add3A_6 = arith.constant 1.000000e+00 : f32
    %add3A_7 = vector.broadcast %add3A_6 : f32 to vector<1000x1xf32>
    %add3A_8 = arith.addf %add3A, %add3A_7 : vector<1000x1xf32>
    %rsqrt3A = math.rsqrt %add3A_8 : vector<1000x1xf32>
    %get3A_9 = arith.constant 0 : index
    %get3A_10 = arith.constant 0 : index
    %get3A_11 = vector.load %arg3[%get3A_9, %get3A_10] : memref<1000x128xf32, #tpu.memory_space<vmem>>, vector<1000x128xf32>
    %get3A_12 = arith.constant 0 : index
    %get3A_13 = arith.constant 0 : index
    %get3A_14 = vector.load %arg4[%get3A_12, %get3A_13] : memref<1000x128xf32, #tpu.memory_space<vmem>>, vector<1000x128xf32>
    %add3A_15 = arith.addf %get3A_11, %get3A_14 : vector<1000x128xf32>
    %get3A_16 = arith.constant 0 : index
    %get3A_17 = arith.constant 0 : index
    %get3A_18 = vector.load %arg5[%get3A_16, %get3A_17] : memref<1000x128xf32, #tpu.memory_space<vmem>>, vector<1000x128xf32>
    %add3A_19 = arith.addf %add3A_15, %get3A_18 : vector<1000x128xf32>
    %get3A_20 = arith.constant 0 : index
    %get3A_21 = arith.constant 0 : index
    %get3A_22 = vector.load %arg6[%get3A_20, %get3A_21] : memref<128x256xf32, #tpu.memory_space<vmem>>, vector<128x256xf32>
    %dot_general3A = arith.constant dense<0.000000e+00> : vector<1000x256xf32>
    %dot_general3A_23 = tpu.matmul %add3A_19, %get3A_22, %dot_general3A {dimension_numbers = #tpu.dot_dimension_numbers<[1], [0], [0], [1], [0, 0, 1, 1], [], []>, transpose_lhs_hint = false} : vector<1000x128xf32>, vector<128x256xf32>, vector<1000x256xf32> -> vector<1000x256xf32>
    %mul3A = vector.broadcast %rsqrt3A : vector<1000x1xf32> to vector<1000x256xf32>
    %mul3A_24 = arith.mulf %mul3A, %dot_general3A_23 : vector<1000x256xf32>
    %get3A_25 = arith.constant 0 : index
    %get3A_26 = arith.constant 0 : index
    %get3A_27 = vector.load %arg7[%get3A_25, %get3A_26] : memref<8x256xf32, #tpu.memory_space<vmem>>, vector<1x256xf32>
    %add3A_28 = vector.broadcast %get3A_27 : vector<1x256xf32> to vector<1000x256xf32>
    %add3A_29 = arith.addf %mul3A_24, %add3A_28 : vector<1000x256xf32>
    %max3A = arith.constant 0.000000e+00 : f32
    %max3A_30 = vector.broadcast %max3A : f32 to vector<1000x256xf32>
    %max3A_31 = arith.maximumf %add3A_29, %max3A_30 : vector<1000x256xf32>
    %get3A_32 = arith.constant 0 : index
    %get3A_33 = arith.constant 0 : index
    %get3A_34 = vector.load %arg8[%get3A_32, %get3A_33] : memref<256x128xf32, #tpu.memory_space<vmem>>, vector<256x128xf32>
    %dot_general3A_35 = arith.constant dense<0.000000e+00> : vector<1000x128xf32>
    %dot_general3A_36 = tpu.matmul %max3A_31, %get3A_34, %dot_general3A_35 {dimension_numbers = #tpu.dot_dimension_numbers<[1], [0], [0], [1], [0, 0, 1, 1], [], []>, transpose_lhs_hint = false} : vector<1000x256xf32>, vector<256x128xf32>, vector<1000x128xf32> -> vector<1000x128xf32>
    %mul3A_37 = vector.broadcast %rsqrt3A : vector<1000x1xf32> to vector<1000x128xf32>
    %mul3A_38 = arith.mulf %mul3A_37, %dot_general3A_36 : vector<1000x128xf32>
    %swap3A = arith.constant 0 : index
    %swap3A_39 = arith.constant 0 : index
    %swap3A_40 = vector.load %arg9[%swap3A, %swap3A_39] : memref<1000x128xf32, #tpu.memory_space<vmem>>, vector<1000x128xf32>
    tpu.vector_store %arg9[%swap3A, %swap3A_39], %mul3A_38 {strides = array<i32>} : memref<1000x128xf32, #tpu.memory_space<vmem>>, vector<1000x128xf32>,
    return
  }
  func.func @transform_0(%arg0: i32) -> (i32, i32) {
    %jit3A = arith.constant 10 : i32
    %eq3A = arith.constant 0 : i32
    %eq3A_0 = arith.cmpi eq, %jit3A, %eq3A : i32
    %jit3A_1 = arith.constant 1 : i32
    %select_n3A = arith.select %eq3A_0, %jit3A_1, %jit3A : i32
    %rem3A = arith.remsi %arg0, %select_n3A : i32
    %ne3A = arith.constant 0 : i32
    %ne3A_2 = arith.cmpi ne, %rem3A, %ne3A : i32
    %lt3A = arith.constant 0 : i32
    %lt3A_3 = arith.cmpi slt, %rem3A, %lt3A : i32
    %lt3A_4 = arith.constant 0 : i32
    %lt3A_5 = arith.cmpi slt, %select_n3A, %lt3A_4 : i32
    %ne3A_6 = arith.xori %lt3A_3, %lt3A_5 : i1
    %and3A = arith.andi %ne3A_6, %ne3A_2 : i1
    %add3A = arith.addi %rem3A, %select_n3A : i32
    %select_n3A_7 = arith.select %and3A, %add3A, %rem3A : i32
    %c0_i32 = arith.constant 0 : i32
    %c0_i32_8 = arith.constant 0 : i32
    return %select_n3A_7, %c0_i32 : i32, i32
  }
  func.func @transform_1(%arg0: i32) -> (i32, i32) {
    %jit3A = arith.constant 10 : i32
    %eq3A = arith.constant 0 : i32
    %eq3A_0 = arith.cmpi eq, %jit3A, %eq3A : i32
    %jit3A_1 = arith.constant 1 : i32
    %select_n3A = arith.select %eq3A_0, %jit3A_1, %jit3A : i32
    %rem3A = arith.remsi %arg0, %select_n3A : i32
    %ne3A = arith.constant 0 : i32
    %ne3A_2 = arith.cmpi ne, %rem3A, %ne3A : i32
    %lt3A = arith.constant 0 : i32
    %lt3A_3 = arith.cmpi slt, %rem3A, %lt3A : i32
    %lt3A_4 = arith.constant 0 : i32
    %lt3A_5 = arith.cmpi slt, %select_n3A, %lt3A_4 : i32
    %ne3A_6 = arith.xori %lt3A_3, %lt3A_5 : i1
    %and3A = arith.andi %ne3A_6, %ne3A_2 : i1
    %add3A = arith.addi %rem3A, %select_n3A : i32
    %select_n3A_7 = arith.select %and3A, %add3A, %rem3A : i32
    %add3A_8 = arith.constant 10 : i32
    %add3A_9 = arith.addi %select_n3A_7, %add3A_8 : i32
    %c0_i32 = arith.constant 0 : i32
    %c0_i32_10 = arith.constant 0 : i32
    return %add3A_9, %c0_i32 : i32, i32
  }
  func.func @transform_2(%arg0: i32) -> (i32, i32) {
    %jit3A = arith.constant 10 : i32
    %eq3A = arith.constant 0 : i32
    %eq3A_0 = arith.cmpi eq, %jit3A, %eq3A : i32
    %jit3A_1 = arith.constant 1 : i32
    %select_n3A = arith.select %eq3A_0, %jit3A_1, %jit3A : i32
    %rem3A = arith.remsi %arg0, %select_n3A : i32
    %ne3A = arith.constant 0 : i32
    %ne3A_2 = arith.cmpi ne, %rem3A, %ne3A : i32
    %lt3A = arith.constant 0 : i32
    %lt3A_3 = arith.cmpi slt, %rem3A, %lt3A : i32
    %lt3A_4 = arith.constant 0 : i32
    %lt3A_5 = arith.cmpi slt, %select_n3A, %lt3A_4 : i32
    %ne3A_6 = arith.xori %lt3A_3, %lt3A_5 : i1
    %and3A = arith.andi %ne3A_6, %ne3A_2 : i1
    %add3A = arith.addi %rem3A, %select_n3A : i32
    %select_n3A_7 = arith.select %and3A, %add3A, %rem3A : i32
    %c0_i32 = arith.constant 0 : i32
    %c0_i32_8 = arith.constant 0 : i32
    return %select_n3A_7, %c0_i32 : i32, i32
  }
  func.func @transform_3(%arg0: i32) -> (i32, i32) {
    %jit3A = arith.constant 10 : i32
    %eq3A = arith.constant 0 : i32
    %eq3A_0 = arith.cmpi eq, %jit3A, %eq3A : i32
    %jit3A_1 = arith.constant 1 : i32
    %select_n3A = arith.select %eq3A_0, %jit3A_1, %jit3A : i32
    %rem3A = arith.remsi %arg0, %select_n3A : i32
    %ne3A = arith.constant 0 : i32
    %ne3A_2 = arith.cmpi ne, %rem3A, %ne3A : i32
    %lt3A = arith.constant 0 : i32
    %lt3A_3 = arith.cmpi slt, %rem3A, %lt3A : i32
    %lt3A_4 = arith.constant 0 : i32
    %lt3A_5 = arith.cmpi slt, %select_n3A, %lt3A_4 : i32
    %ne3A_6 = arith.xori %lt3A_3, %lt3A_5 : i1
    %and3A = arith.andi %ne3A_6, %ne3A_2 : i1
    %add3A = arith.addi %rem3A, %select_n3A : i32
    %select_n3A_7 = arith.select %and3A, %add3A, %rem3A : i32
    %add3A_8 = arith.constant 10 : i32
    %add3A_9 = arith.addi %select_n3A_7, %add3A_8 : i32
    %c0_i32 = arith.constant 0 : i32
    %c0_i32_10 = arith.constant 0 : i32
    return %add3A_9, %c0_i32 : i32, i32
  }
  func.func @transform_4(%arg0: i32) -> (i32, i32) {
    %jit3A = arith.constant 10 : i32
    %eq3A = arith.constant 0 : i32
    %eq3A_0 = arith.cmpi eq, %jit3A, %eq3A : i32
    %jit3A_1 = arith.constant 1 : i32
    %select_n3A = arith.select %eq3A_0, %jit3A_1, %jit3A : i32
    %rem3A = arith.remsi %arg0, %select_n3A : i32
    %ne3A = arith.constant 0 : i32
    %ne3A_2 = arith.cmpi ne, %rem3A, %ne3A : i32
    %lt3A = arith.constant 0 : i32
    %lt3A_3 = arith.cmpi slt, %rem3A, %lt3A : i32
    %lt3A_4 = arith.constant 0 : i32
    %lt3A_5 = arith.cmpi slt, %select_n3A, %lt3A_4 : i32
    %ne3A_6 = arith.xori %lt3A_3, %lt3A_5 : i1
    %and3A = arith.andi %ne3A_6, %ne3A_2 : i1
    %add3A = arith.addi %rem3A, %select_n3A : i32
    %select_n3A_7 = arith.select %and3A, %add3A, %rem3A : i32
    %c0_i32 = arith.constant 0 : i32
    %c0_i32_8 = arith.constant 0 : i32
    return %select_n3A_7, %c0_i32 : i32, i32
  }
  func.func @transform_5(%arg0: i32) -> (i32, i32) {
    %c0_i32 = arith.constant 0 : i32
    %c0_i32_0 = arith.constant 0 : i32
    %c0_i32_1 = arith.constant 0 : i32
    return %c0_i32, %c0_i32_0 : i32, i32
  }
  func.func @transform_6(%arg0: i32) -> (i32, i32) {
    %c0_i32 = arith.constant 0 : i32
    %c0_i32_0 = arith.constant 0 : i32
    %c0_i32_1 = arith.constant 0 : i32
    return %c0_i32, %c0_i32_0 : i32, i32
  }
  func.func @transform_7(%arg0: i32) -> (i32, i32) {
    %c0_i32 = arith.constant 0 : i32
    %c0_i32_0 = arith.constant 0 : i32
    %c0_i32_1 = arith.constant 0 : i32
    return %c0_i32, %c0_i32_0 : i32, i32
  }
  func.func @transform_8(%arg0: i32) -> (i32, i32) {
    %c0_i32 = arith.constant 0 : i32
    %c0_i32_0 = arith.constant 0 : i32
    return %arg0, %c0_i32 : i32, i32
  }
}

module attributes {stable_mosaic.version = 14 : i64} {
  func.func @body(%arg0: i32, %arg1: memref<1000x128xf32, #tpu.memory_space<vmem>>, %arg2: memref<1000x128xf32, #tpu.memory_space<vmem>>, %arg3: memref<1000x128xf32, #tpu.memory_space<vmem>>, %arg4: memref<1000x128xf32, #tpu.memory_space<vmem>>, %arg5: memref<1000x128xf32, #tpu.memory_space<vmem>>, %arg6: memref<8x128xf32, #tpu.memory_space<vmem>>, %arg7: memref<1000x128xf32, #tpu.memory_space<vmem>>) attributes {dimension_semantics = [#tpu.dimension_semantics<arbitrary>], iteration_bounds = array<i64: 10>, scalar_prefetch = 0 : i64, scratch_operands = 0 : i64, tpu.core_type = #tpu.core_type<tc>, window_params = [{transform_indices = @transform_0, window_bounds = array<i64: 1000, 128>}, {transform_indices = @transform_1, window_bounds = array<i64: 1000, 128>}, {transform_indices = @transform_2, window_bounds = array<i64: 1000, 128>}, {transform_indices = @transform_3, window_bounds = array<i64: 1000, 128>}, {transform_indices = @transform_4, window_bounds = array<i64: 1000, 128>}, {pipeline_mode = #tpu.pipeline_mode<synchronous>, transform_indices = @transform_5, window_bounds = array<i64: 8, 128>}, {transform_indices = @transform_6, window_bounds = array<i64: 1000, 128>}]} {
    %get3A = arith.constant 0 : index
    %get3A_0 = arith.constant 0 : index
    %get3A_1 = vector.load %arg1[%get3A, %get3A_0] : memref<1000x128xf32, #tpu.memory_space<vmem>>, vector<1000x128xf32>
    %slice3A = vector.extract_strided_slice %get3A_1 {offsets = [0, 0], sizes = [1000, 1], strides = [1, 1]} : vector<1000x128xf32> to vector<1000x1xf32>
    %get3A_2 = arith.constant 0 : index
    %get3A_3 = arith.constant 0 : index
    %get3A_4 = vector.load %arg2[%get3A_2, %get3A_3] : memref<1000x128xf32, #tpu.memory_space<vmem>>, vector<1000x128xf32>
    %slice3A_5 = vector.extract_strided_slice %get3A_4 {offsets = [0, 0], sizes = [1000, 1], strides = [1, 1]} : vector<1000x128xf32> to vector<1000x1xf32>
    %add3A = arith.addf %slice3A, %slice3A_5 : vector<1000x1xf32>
    %add3A_6 = arith.constant 1.000000e+00 : f32
    %add3A_7 = vector.broadcast %add3A_6 : f32 to vector<1000x1xf32>
    %add3A_8 = arith.addf %add3A, %add3A_7 : vector<1000x1xf32>
    %rsqrt3A = math.rsqrt %add3A_8 : vector<1000x1xf32>
    %get3A_9 = arith.constant 0 : index
    %get3A_10 = arith.constant 0 : index
    %get3A_11 = vector.load %arg3[%get3A_9, %get3A_10] : memref<1000x128xf32, #tpu.memory_space<vmem>>, vector<1000x128xf32>
    %get3A_12 = arith.constant 0 : index
    %get3A_13 = arith.constant 0 : index
    %get3A_14 = vector.load %arg4[%get3A_12, %get3A_13] : memref<1000x128xf32, #tpu.memory_space<vmem>>, vector<1000x128xf32>
    %add3A_15 = arith.addf %get3A_11, %get3A_14 : vector<1000x128xf32>
    %get3A_16 = arith.constant 0 : index
    %get3A_17 = arith.constant 0 : index
    %get3A_18 = vector.load %arg5[%get3A_16, %get3A_17] : memref<1000x128xf32, #tpu.memory_space<vmem>>, vector<1000x128xf32>
    %add3A_19 = arith.addf %add3A_15, %get3A_18 : vector<1000x128xf32>
    %mul3A = vector.broadcast %rsqrt3A : vector<1000x1xf32> to vector<1000x128xf32>
    %mul3A_20 = arith.mulf %mul3A, %add3A_19 : vector<1000x128xf32>
    %get3A_21 = arith.constant 0 : index
    %get3A_22 = arith.constant 0 : index
    %get3A_23 = vector.load %arg6[%get3A_21, %get3A_22] : memref<8x128xf32, #tpu.memory_space<vmem>>, vector<1x128xf32>
    %add3A_24 = vector.broadcast %get3A_23 : vector<1x128xf32> to vector<1000x128xf32>
    %add3A_25 = arith.addf %mul3A_20, %add3A_24 : vector<1000x128xf32>
    %iota3A = tpu.iota {dimensions = array<i32: 1>} : vector<1000x128xi32>
    %lt3A = arith.constant 10 : i32
    %lt3A_26 = vector.broadcast %lt3A : i32 to vector<1000x128xi32>
    %lt3A_27 = arith.cmpi slt, %iota3A, %lt3A_26 : vector<1000x128xi32>
    %jit3A = arith.constant -1.000000e+30 : f32
    %broadcast_in_dim3A = vector.broadcast %jit3A : f32 to vector<1000x128xf32>
    %select_n3A = arith.select %lt3A_27, %add3A_25, %broadcast_in_dim3A : vector<1000x128xi1>, vector<1000x128xf32>
    %reduce_max3A = arith.constant dense<0xFF800000> : vector<1000xf32>
    %reduce_max3A_28 = vector.multi_reduction <maximumf>, %select_n3A, %reduce_max3A [1] : vector<1000x128xf32> to vector<1000xf32>
    %broadcast_in_dim3A_29 = vector.shape_cast %reduce_max3A_28 : vector<1000xf32> to vector<1000x1xf32>
    %sub3A = vector.broadcast %broadcast_in_dim3A_29 : vector<1000x1xf32> to vector<1000x128xf32>
    %sub3A_30 = arith.subf %select_n3A, %sub3A : vector<1000x128xf32>
    %exp3A = math.exp %sub3A_30 : vector<1000x128xf32>
    %reduce_sum3A = arith.constant dense<0.000000e+00> : vector<1000xf32>
    %reduce_sum3A_31 = vector.multi_reduction <add>, %exp3A, %reduce_sum3A [1] : vector<1000x128xf32> to vector<1000xf32>
    %broadcast_in_dim3A_32 = vector.shape_cast %reduce_sum3A_31 : vector<1000xf32> to vector<1000x1xf32>
    %log3A = math.log %broadcast_in_dim3A_32 : vector<1000x1xf32>
    %sub3A_33 = vector.broadcast %broadcast_in_dim3A_29 : vector<1000x1xf32> to vector<1000x128xf32>
    %sub3A_34 = arith.subf %add3A_25, %sub3A_33 : vector<1000x128xf32>
    %sub3A_35 = vector.broadcast %log3A : vector<1000x1xf32> to vector<1000x128xf32>
    %sub3A_36 = arith.subf %sub3A_34, %sub3A_35 : vector<1000x128xf32>
    %swap3A = arith.constant 0 : index
    %swap3A_37 = arith.constant 0 : index
    %swap3A_38 = vector.load %arg7[%swap3A, %swap3A_37] : memref<1000x128xf32, #tpu.memory_space<vmem>>, vector<1000x128xf32>
    tpu.vector_store %arg7[%swap3A, %swap3A_37], %sub3A_36 {strides = array<i32>} : memref<1000x128xf32, #tpu.memory_space<vmem>>, vector<1000x128xf32>,
    return
  }
  func.func @transform_0(%arg0: i32) -> (i32, i32) {
    %c0_i32 = arith.constant 0 : i32
    %c0_i32_0 = arith.constant 0 : i32
    return %arg0, %c0_i32 : i32, i32
  }
  func.func @transform_1(%arg0: i32) -> (i32, i32) {
    %add3A = arith.constant 10 : i32
    %add3A_0 = arith.addi %arg0, %add3A : i32
    %c0_i32 = arith.constant 0 : i32
    %c0_i32_1 = arith.constant 0 : i32
    return %add3A_0, %c0_i32 : i32, i32
  }
  func.func @transform_2(%arg0: i32) -> (i32, i32) {
    %c0_i32 = arith.constant 0 : i32
    %c0_i32_0 = arith.constant 0 : i32
    return %arg0, %c0_i32 : i32, i32
  }
  func.func @transform_3(%arg0: i32) -> (i32, i32) {
    %add3A = arith.constant 10 : i32
    %add3A_0 = arith.addi %arg0, %add3A : i32
    %c0_i32 = arith.constant 0 : i32
    %c0_i32_1 = arith.constant 0 : i32
    return %add3A_0, %c0_i32 : i32, i32
  }
  func.func @transform_4(%arg0: i32) -> (i32, i32) {
    %c0_i32 = arith.constant 0 : i32
    %c0_i32_0 = arith.constant 0 : i32
    return %arg0, %c0_i32 : i32, i32
  }
  func.func @transform_5(%arg0: i32) -> (i32, i32) {
    %c0_i32 = arith.constant 0 : i32
    %c0_i32_0 = arith.constant 0 : i32
    %c0_i32_1 = arith.constant 0 : i32
    return %c0_i32, %c0_i32_0 : i32, i32
  }
  func.func @transform_6(%arg0: i32) -> (i32, i32) {
    %c0_i32 = arith.constant 0 : i32
    %c0_i32_0 = arith.constant 0 : i32
    return %arg0, %c0_i32 : i32, i32
  }
}

</mosaic_0001>

<sc_bundles>
// kernel: kernel.11.cloned.1.call-start
scs
__scs_entry_jumppad:
0x0: {  	(pc) =	sbr.rel $0x88, $3  }
0x1: {  	(tag) =	ssettag $0x0;
	lr =	simm.s32 $0x1  }
0x2: {  	[smem:$0x3F9B] =	sst lr;
	_ =	strace $0xD0000000  }
0x3: {  	_ = 	snop  }
0x4: {  	_ = 	snop  }
0x5: {  	_ = 	snop  }
0x6: {  	_ = 	snop  }
0x7: {  	_ = 	snop  }
__scs_overlays_trampoline_lowered:
0x8: {  	[smem:$0x3FAA] =	sst s0  }
0x9: {  	[smem:$0x3FAB] =	sst s1  }
0xa: {  	[smem:$0x3FAC] =	sst s2  }
0xb: {  	[smem:$0x3FAD] =	sst s3  }
0xc: {  	[smem:$0x3FAE] =	sst s4  }
0xd: {  	[smem:$0x3FAF] =	sst s5  }
0xe: {  	[smem:$0x3FB0] =	sst s6  }
0xf: {  	[smem:$0x3FB1] =	sst s7  }
0x10: {  	[smem:$0x3FB2] =	sst s8  }
0x11: {  	[smem:$0x3FB3] =	sst s9;
	s0 =	simm.s32 @!p0 $0x0  }
0x12: {  	s1 =	sld [smem:$0x3F99];
	s0 =	simm.s32 @p0 $0x1  }
0x13: {  	[smem:$0x3FB4] =	sst s0;
	s0 =	simm.s32 @!p1 $0x0  }
0x14: {  	s2 =	sld [smem:$0x3F98];
	s0 =	simm.s32 @p1 $0x1  }
0x15: {  	[smem:$0x3FB5] =	sst s0;
	s0 =	simm.s32 @!p2 $0x0  }
0x16: {  	s3 =	sld [smem:$0x3FDB];
	s0 =	simm.s32 @p2 $0x1  }
0x17: {  	s4 =	simm.s32 $0x1BF5;
	[smem:$0x3FB7] =	sst s0  }
0x18: {  	s0 =	sld [smem:$0x3F9A];
	_ =	swait.ge [sflag:s4], $0x0  }
0x19: {  	s7 =	sld [smem:$0x3F9B]  }
0x1a: {  	s8 =	sadd.s32 $0xFFFFE003, lr  }
0x1b: {  	s9 =	sadd.s32 $0xFFFFFEF7, lr;
	s5 =	simm.s32 $0xFFFFFFFF;
	p2 =	slt.u32 s8, $0xFFFFF086  }
0x1c: {  	p1 =	slt.u32 s9, $0xF7A;
	s5 =	simm.s32 @!p2 $0x0  }
0x1d: {  	s5 =	simm.s32 @p1 $0x1;
	p0 =	seq.s32 s7, s2  }
0x1e: {  	s7 =	smul.u32 @!p0 $0xF7A, s2;
	p2 =	seq.s32 @!p0 s5, $0x0  }
0x1f: {  	s9 =	smul.u32 $0xF7A, s1;
	s8 =	simm.s32 @!p0 $0x1BF5;
	p2 =	por !p2, p0  }
0x20: {  	[sflag:s8] =	ssyncset.s32 @!p0 $0xFFFFF086;
	s6 =	sadd.s32 @!p0 s3, s7;
	s7 =	simm.s32 @!p0 $0x108  }
0x21: {  	s3 =	sadd.s32 s3, s9;
	s6 =	sadd.s32 @!p0 $0x88, s6;
	s7 =	simm.s32 @p2 $0x1082  }
0x22: {  	[simem:s7], [sflag:s8] =	dma.local @!p0 [hbm:s6], $0xF7A  }
0x23: {  	s9 =	sor.u32 $0xD0000000, s2;
	s6 =	simm.s32 $0x108;
	_ =	swait.ge @!p0 [sflag:s8], $0x0  }
0x24: {  	s3 =	sadd.s32 $0x88, s3;
	s6 =	simm.s32 @!p1 $0x1082;
	[sflag:s4] =	ssyncset.s32 $0xFFFFF086  }
0x25: {  	[simem:s6], [sflag:s4] =	dma.local [hbm:s3], $0xF7A  }
0x26: {  	[smem:$0x3F9B] =	sst s1;
	(tag) =	ssettag s2;
	_ =	strace s9  }
0x27: {  	s1 =	sld [smem:$0x3FAB]  }
0x28: {  	s2 =	sld [smem:$0x3FAC]  }
0x29: {  	s4 =	sld [smem:$0x3FAE]  }
0x2a: {  	p0 =	seq.s32 s5, $0x0;
	s5 =	sld [smem:$0x3FAF]  }
0x2b: {  	s6 =	sld [smem:$0x3FB0]  }
0x2c: {  	s7 =	sld [smem:$0x3FB1]  }
0x2d: {  	s3 =	simm.s32 $0x108;
	s8 =	sld [smem:$0x3FB2]  }
0x2e: {  	s3 =	simm.s32 @!p0 $0x1082;
	s9 =	sld [smem:$0x3FB3]  }
0x2f: {  	lr =	sadd.s32 s0, s3;
	s0 =	sld [smem:$0x3FAA]  }
0x30: {  	s3 =	sld [smem:$0x3FAD]  }
0x31: {  	[smem:$0x3FB6] =	sst s10  }
0x32: {  	s10 =	sld [smem:$0x3FB4];
	_ =	sdelay $0x3  }
0x33: {  	p0 =	seq.s32 s10, $0x1;
	s10 =	sld [smem:$0x3FB6];
	_ =	sdelay $0x3  }
0x34: {  	[smem:$0x3FB6] =	sst s10  }
0x35: {  	s10 =	sld [smem:$0x3FB5];
	_ =	sdelay $0x3  }
0x36: {  	p1 =	seq.s32 s10, $0x1;
	s10 =	sld [smem:$0x3FB6];
	_ =	sdelay $0x3  }
0x37: {  	[smem:$0x3FB6] =	sst s10  }
0x38: {  	s10 =	sld [smem:$0x3FB7]  }
0x39: {  	_ = 	snop;
	(pc) =	sbr.ind lr, $3  }
0x3a: {  	_ = 	snop  }
0x3b: {  	_ = 	snop  }
0x3c: {  	p2 =	seq.s32 s10, $0x1;
	s10 =	sld [smem:$0x3FB6]  }
0x3d: {  	_ =	shalt  }
0x3e: {  	_ =	shalt  }
0x3f: {  	_ =	shalt  }
0x40: {  	_ =	shalt  }
0x41: {  	_ =	shalt  }
0x42: {  	_ =	shalt  }
0x43: {  	_ =	shalt  }
0x44: {  	_ =	shalt  }
0x45: {  	_ =	shalt  }
0x46: {  	_ =	shalt  }
0x47: {  	_ =	shalt  }
0x48: {  	_ =	shalt  }
0x49: {  	_ =	shalt  }
0x4a: {  	_ =	shalt  }
0x4b: {  	_ =	shalt  }
0x4c: {  	_ =	shalt  }
0x4d: {  	_ =	shalt  }
0x4e: {  	_ =	shalt  }
0x4f: {  	_ =	shalt  }
0x50: {  	_ =	shalt  }
0x51: {  	_ =	shalt  }
0x52: {  	_ =	shalt  }
0x53: {  	_ =	shalt  }
0x54: {  	_ =	shalt  }
0x55: {  	_ =	shalt  }
0x56: {  	_ =	shalt  }
0x57: {  	_ =	shalt  }
0x58: {  	_ =	shalt  }
0x59: {  	_ =	shalt  }
0x5a: {  	_ =	shalt  }
0x5b: {  	_ =	shalt  }
0x5c: {  	_ =	shalt  }
0x5d: {  	_ =	shalt  }
0x5e: {  	_ =	shalt  }
0x5f: {  	_ =	shalt  }
0x60: {  	_ =	shalt  }
0x61: {  	_ =	shalt  }
0x62: {  	_ =	shalt  }
0x63: {  	_ =	shalt  }
0x64: {  	_ =	shalt  }
0x65: {  	_ =	shalt  }
0x66: {  	_ =	shalt  }
0x67: {  	_ =	shalt  }
0x68: {  	_ =	shalt  }
0x69: {  	_ =	shalt  }
0x6a: {  	_ =	shalt  }
0x6b: {  	_ =	shalt  }
0x6c: {  	_ =	shalt  }
0x6d: {  	_ =	shalt  }
0x6e: {  	_ =	shalt  }
0x6f: {  	_ =	shalt  }
0x70: {  	_ =	shalt  }
0x71: {  	_ =	shalt  }
0x72: {  	_ =	shalt  }
0x73: {  	_ =	shalt  }
0x74: {  	_ =	shalt  }
0x75: {  	_ =	shalt  }
0x76: {  	_ =	shalt  }
0x77: {  	_ =	shalt  }
0x78: {  	_ =	shalt  }
0x79: {  	_ =	shalt  }
0x7a: {  	_ =	shalt  }
0x7b: {  	_ =	shalt  }
0x7c: {  	_ =	shalt  }
0x7d: {  	_ =	shalt  }
0x7e: {  	_ =	shalt  }
0x7f: {  	_ =	shalt  }
0x80: {  	_ =	shalt  }
0x81: {  	_ =	shalt  }
0x82: {  	_ =	shalt  }
0x83: {  	_ =	shalt  }
0x84: {  	_ =	shalt  }
0x85: {  	_ =	shalt  }
0x86: {  	_ =	shalt  }
0x87: {  	_ =	shalt  }
.Lfunc_end0:
.L_simem_size_0:
called_computation.1_lowered:
.L_overlay_start_0:
0x88: {  	s2 =	sld [smem:$0x3FD9]  }
0x89: {  	s3 =	sld [smem:$0x3FFE];
	_ =	sdelay $0x1  }
0x8a: {  	s1 =	srdreg.scid  }
0x8b: {  	s0 =	sand.u32 $0x1, s1  }
0x8c: {  	s16 =	sshll.u32 s0, $0xA;
	s2 =	sadd.s32 s3, s2  }
0x8d: {  	s2 =	sadd.s32 s2, s16  }
0x8e: {  	[smem:$0x3FC2] =	sst s2  }
0x8f: {  	_ = 	snop  }
0x90: {  	(tm) =	ssettm $0x1  }
0x91: {  	s17 =	sld [smem:$0x3FFB];
	_ =	sdelay $0x3  }
0x92: {  	_ =	strace s17  }
0x93: {  	s2 =	sld [smem:$0x3FFC];
	_ =	sdelay $0x3  }
0x94: {  	_ =	strace s2  }
0x95: {  	s2 =	sld [smem:$0x3FFD];
	_ =	sdelay $0x3  }
0x96: {  	_ =	strace s2  }
0x97: {  	_ =	strace $0x8FFFFFFF  }
0x98: {  	s18 =	sld [smem:$0x3FDB];
	_ =	sdelay $0x1  }
0x99: {  	s19 =	simm.s32 $_scs_section_size  }
0x9a: {  	s4 =	simm.s32 $_size__tile_overlayer_lowered;
	s5 =	simm.s32 $_tile_overlayer_lowered  }
0x9b: {  	s22 =	simm.s32 $0x1BFF;
	s21 =	sshll.u32 s5, $0x1;
	s2 =	sadd.s32 s19, s18  }
0x9c: {  	s6 =	simm.s32 $0x0;
	s20 =	sshll.u32 s4, $0x1;
	s4 =	sadd.s32 s21, s2  }
0x9d: {  	[timem:s6], [sflag:s22] =	dma.local [hbm:s4], s20  }
0x9e: {  	_ =	swait.ge [sflag:s22], s20  }
0x9f: {  	s3 =	ssub.s32 $0x0, s20;
	[sflag:s22] =	ssyncset.done $0x0  }
0xa0: {  	[sflag:s22] =	ssyncadd.s32 s3;
	_ =	sdelay $0x1  }
0xa1: {  	s23 =	simm.s32 $0x1B8B  }
0xa2: {  	_ =	swait.ge [sflag:s23], $0x1  }
0xa3: {  	[sflag:s23] =	ssyncset.done $0x0  }
0xa4: {  	s25 =	simm.s32 $0x1B8E;
	s24 =	sld [smem:$0x3FFE];
	[sflag:s23] =	ssyncadd.s32 $0xFFFFFFFF  }
0xa5: {  	s26 =	simm.s32 $execute0_lowered;
	[smem:$0x3FD2] =	sst s25  }
0xa6: {  	s4 =	sshll.u32 s26, $0x1;
	_ =	strace $0x80000049;
	[dreg:$0x1] =	wrdreg $0xFFFFFFFF  }
0xa7: {  	s28 =	simm.s32 $_size_execute0_lowered;
	s2 =	sadd.s32 s2, s4;
	[dreg:$0x0] =	wrdreg $0x0  }
0xa8: {  	s4 =	sshll.u32 s28, $0x1;
	[dreg:$0x2] =	wrdreg s2  }
0xa9: {  	[dreg:$0x3] =	wrdreg s4  }
0xaa: {  	[dreg:$0x4] =	wrdreg $0xC0  }
0xab: {  	_ =	task [dreg:s6], $0x5FFFF  }
0xac: {  	[dreg:$0x1] =	wrdreg $0xFFFFFFFF  }
0xad: {  	[dreg:$0x0] =	wrdreg $0x60  }
0xae: {  	[dreg:$0x2] =	wrdreg s24  }
0xaf: {  	[dreg:$0x3] =	wrdreg $0x82000  }
0xb0: {  	[dreg:$0x4] =	wrdreg $0x9  }
0xb1: {  	_ =	task.clear_ibuf [dreg:s6], $0x5FFFF;
	_ =	strace $0x90000049  }
0xb2: {  	s29 =	simm.s32 $0x9;
	_ =	strace $0x8000004B  }
0xb3: {  	_ =	swait.ge [sflag:s29], $0x1  }
0xb4: {  	[sflag:s29] =	ssyncadd.s32 $0xFFFFFFFF  }
0xb5: {  	_ =	strace $0x9000004B  }
0xb6: {  	_ =	sfence  }
0xb7: {  	s30 =	sld [smem:$0x0];
	_ =	sdelay $0x2  }
0xb8: {  	s31 =	sshll.u32 s1, $0xD;
	s1 =	sshrl.u32 s1, $0x2  }
0xb9: {  	s3 =	sand.u32 $0x4000, s31;
	s1 =	sadd.s32 s1, s30  }
0xba: {  	s0 =	sor.u32 s3, s0;
	s1 =	sshll.u32 s1, $0x11  }
0xbb: {  	s0 =	sor.u32 s1, s0  }
0xbc: {  	s0 =	sadd.s32 $0x8F2B, s0  }
0xbd: {  	[sflag:s0] =	ssyncadd.remote.s32 $0x1  }
0xbe: {  	_ =	sfence.sel $0xFFFF  }
0xbf: {  	[dreg:$0x0] =	wrdreg $0xFFFFFFFF;
	(pc) =	sbr.abs _section_cstart, $3  }
0xc0: {  	[dreg:$0x1] =	wrdreg $0xFFFFFFFF  }
0xc1: {  	_ =	task.clear_ibuf [dreg:s6], $0x2FFFF;
	_ =	strace $0x9FFFFFFF  }
0xc2: {  	(tm) =	ssettm $0x7FFFFFFF  }
0xc3: {  	_ =	shalt  }
tec
execute0_lowered:
.L_overlay_start_1:
0x0: {  	(tag) =	ssettag $0x1  }
0x1: {  	s0 =	rddreg [dreg:$0x0]  }
0x2: {  	s1 =	rddreg [dreg:$0x1];
	s2 =	simm.s32 $0x0  }
0x3: {  	s3 =	srdreg.scid;
	s22 =	stileid.u32;
	s20 =	simm.s32 $0x3  }
0x4: {  	[smem:$0x7FF] =	sst s2;
	s3 =	sand.u32 $0x1, s3;
	s13 =	smul.u32 $0x2780, s22  }
0x5: {  	s4 =	sadd.s32 $0x8BA00, s0;
	s5 =	sadd.s32 $0xC000, s0;
	s8 =	smul.u32 $0x4F000, s22  }
0x6: {  	s6 =	sadd.s32 $0x2000, s0;
	s25 =	sshll.u32 s22, $0x6;
	s7 =	smul.u32 $0xFFFFFFB4, s3  }
0x7: {  	s21 =	sadd.s32 $0x128400, s1;
	p0 =	seq.s32 s22, $0xF;
	s14 =	smul.u32 $0x3B000, s3  }
0x8: {  	_ =	strace $0x8000004A;
	s10 =	ssub.s32 $0x2, s3;
	s24 =	smul.u32 $0x27100, s3  }
0x9: {  	s3 =	smul.u32 $0x138800, s3;
	s9 =	sadd.s32 s13, s0;
	s0 =	sadd.s32 $0xD9C00, s0  }
0xa: {  	s12 =	sshrl.u32 s10, $0x1;
	s8 =	sshrl.u32 s8, $0x2;
	s7 =	sadd.s32 $0x76, s7  }
0xb: {  	s15 =	ssub.s32 s10, s12;
	s8 =	sadd.s32 s8, s1;
	s9 =	sadd.s32 $0x16000, s9  }
0xc: {  	s10 =	sor.u32 $0x1C03, s25;
	s13 =	sadd.s32 s13, s24;
	s11 =	smul.u32 s7, s22  }
0xd: {  	s3 =	sshrl.u32 s3, $0x3;
	s24 =	sshrl.u32 @p0 s21, $0x3;
	s25 =	simm.s32 $0x0  }
0xe: {  	[dreg:$0x3] =	wrdreg s9;
	s13 =	sadd.s32 s0, s13;
	s23 =	sshll.u32 s11, $0x7  }
0xf: {  	s0 =	sadd.s32 s0, s3;
	s15 =	smax.u32 s15, $0x1;
	s18 =	sadd.s32 s14, s23  }
0x10: {  	s19 =	sshrl.u32 s8, $0x3;
	s14 =	sadd.s32 $0x25080, s0;
	s26 =	sshrl.u32 s18, $0x3  }
0x11: {  	s30 =	sor.u32 $0x80, s18;
	s18 =	sadd.s32 $0x100, s18;
	s28 =	sadd.s32 s5, s26  }
0x12: {  	s29 =	sadd.s32 s6, s26;
	s31 =	sshrl.u32 s30, $0x3;
	[dreg:$0x4] =	wrdreg s28  }
0x13: {  	[dreg:$0x5] =	wrdreg s29;
	s16 =	sadd.s32 s31, s6;
	s17 =	sadd.s32 s31, s5  }
.LBB2_1:
0x14: {  	s0 =	rddreg [dreg:$0x3]  }
0x15: {  	[spmem:s19], [sflag:s10] =	dma.local [hbm:s0], $0x2780  }
0x16: {  	_ =	swait.ge [sflag:s20], $0x2780  }
0x17: {  	[sflag:s20] =	ssyncset.done $0x0  }
0x18: {  	[sflag:s20] =	ssyncadd.s32 $0xFFFFD880  }
0x19: {  	[bflag:$0x0] =	sbarrier.arrive $0xFFFF  }
0x1a: {  	s21 =	rddreg [dreg:$0x4]  }
0x1b: {  	[tilespmem:s2], [sflag:$0x3] =	stream.linear.gather [hbm4b:s21+s2], $0x80, $0x38;
	[tilespmem:$0x1BE00] =	vst v63  }
0x1c: {  	_ =	swait.ge [sflag:s20], $0x80  }
0x1d: {  	[sflag:s20] =	ssyncset.done $0x0  }
0x1e: {  	s3 =	simm.s32 $0x100;
	s22 =	rddreg [dreg:$0x5];
	[sflag:s20] =	ssyncadd.s32 $0xFFFFFF80  }
0x1f: {  	[tilespmem:s3], [sflag:$0x3] =	stream.linear.gather [hbm4b:s22+s2], $0x80, $0x38;
	[tilespmem:$0x1BE00] =	vst v63  }
0x20: {  	_ =	swait.ge [sflag:s20], $0x80  }
0x21: {  	s23 =	simm.s32 $0x80;
	p1 =	sle.u32 s7, $0x1;
	[sflag:s20] =	ssyncset.done $0x0  }
0x22: {  	s26 =	simm.s32 $0x200;
	s0 =	simm.s32 @!p1 $0x0;
	[sflag:s20] =	ssyncadd.s32 $0xFFFFFF80  }
0x23: {  	[tilespmem:s26], [sflag:$0x1] =	stream.indirect.gather [hbm4b:s4+s23], $0x80, s2, s23, $0xb8;
	[tilespmem:$0x1BE00] =	vst v63  }
0x24: {  	s21 =	simm.s32 @!p1 $0x4;
	s3 =	simm.s32 @!p1 $0x80;
	p1 =	por p1, p1  }
0x25: {  	[tilespmem:s3], [sflag:$0x4] =	stream.linear.gather @!p1 [hbm4b:s17+s0], $0x80, $0x38;
	[tilespmem:$0x1BE00] =	vst v63  }
0x26: {  	_ =	swait.ge @!p1 [sflag:s21], $0x80  }
0x27: {  	[sflag:s21] =	ssyncset.done @!p1 $0x0  }
0x28: {  	s22 =	simm.s32 @!p1 $0x180;
	[sflag:s21] =	ssyncadd.s32 @!p1 $0xFFFFFF80  }
0x29: {  	[tilespmem:s22], [sflag:$0x4] =	stream.linear.gather @!p1 [hbm4b:s16+s0], $0x80, $0x38;
	[tilespmem:$0x1BE00] =	vst v63  }
0x2a: {  	_ =	swait.ge @!p1 [sflag:s21], $0x80  }
0x2b: {  	p3 =	sle.u32 s7, $0x0;
	[sflag:s21] =	ssyncset.done @!p1 $0x0  }
0x2c: {  	s0 =	simm.s32 @!p1 $0x4200;
	[sflag:s21] =	ssyncadd.s32 @!p1 $0xFFFFFF80;
	s21 =	simm.s32 @!p3 $0x1  }
0x2d: {  	[tilespmem:s0], [sflag:$0x2] =	stream.indirect.gather @!p1 [hbm4b:s4+s3], $0x80, s3, s3, $0xb8;
	[tilespmem:$0x1BE00] =	vst v63  }
0x2e: {  	_ =	swait.ge @!p3 [sflag:s21], $0x4000  }
0x2f: {  	s28 =	simm.s32 @!p3 $0x80;
	s29 =	simm.s32 @!p3 $0x100;
	[sflag:s21] =	ssyncset.done @!p3 $0x0  }
0x30: {  	s26 =	simm.s32 @!p3 $0x200;
	[sflag:s21] =	ssyncadd.s32 @!p3 $0xFFFFC000;
	s21 =	simm.s32 @!p3 $0x4  }
0x31: {  	[spmem:s1] =	stream.indirect.scatter.add.f32 @!p3 [tilespmem:s26], [sflag:$0x4], $0x80, s29, s28, $0xb8;
	[tilespmem:$0x1BE00] =	vst v63  }
0x32: {  	p2 =	sle.u32 s7, $0x2;
	_ =	swait.ge @!p3 [sflag:s21], $0x4000  }
0x33: {  	s26 =	sshrl.u32 @!p2 s18, $0x3;
	s29 =	simm.s32 @!p2 $0x0;
	[sflag:s21] =	ssyncset.done @!p3 $0x0  }
0x34: {  	s28 =	sadd.s32 @!p2 s5, s26;
	[sflag:s21] =	ssyncadd.s32 @!p3 $0xFFFFC000;
	s21 =	simm.s32 @!p2 $0x4  }
0x35: {  	[tilespmem:s29], [sflag:$0x4] =	stream.linear.gather @!p2 [hbm4b:s28+s29], $0x80, $0x38;
	[tilespmem:$0x1BE00] =	vst v63  }
0x36: {  	_ =	swait.ge @!p2 [sflag:s21], $0x80  }
0x37: {  	[sflag:s21] =	ssyncset.done @!p2 $0x0  }
0x38: {  	s26 =	sadd.s32 @!p2 s6, s26;
	s28 =	simm.s32 @!p2 $0x100;
	[sflag:s21] =	ssyncadd.s32 @!p2 $0xFFFFFF80  }
0x39: {  	[tilespmem:s28], [sflag:$0x4] =	stream.linear.gather @!p2 [hbm4b:s26+s29], $0x80, $0x38;
	[tilespmem:$0x1BE00] =	vst v63  }
0x3a: {  	_ =	swait.ge @!p2 [sflag:s21], $0x80  }
0x3b: {  	s26 =	simm.s32 @!p2 $0x200;
	[sflag:s21] =	ssyncset.done @!p2 $0x0  }
0x3c: {  	s28 =	simm.s32 @!p2 $0x80;
	[sflag:s21] =	ssyncadd.s32 @!p2 $0xFFFFFF80;
	s21 =	simm.s32 @!p1 $0x2  }
0x3d: {  	[tilespmem:s26], [sflag:$0x1] =	stream.indirect.gather @!p2 [hbm4b:s4+s28], $0x80, s29, s28, $0xb8;
	[tilespmem:$0x1BE00] =	vst v63  }
0x3e: {  	_ =	swait.ge @!p1 [sflag:s21], $0x4000  }
0x3f: {  	[sflag:s21] =	ssyncset.done @!p1 $0x0  }
0x40: {  	s31 =	simm.s32 $0x6;
	s30 =	sadd.s32 $0x20, s17;
	[sflag:s21] =	ssyncadd.s32 @!p1 $0xFFFFC000  }
0x41: {  	[spmem:s1] =	stream.indirect.scatter.add.f32 @!p1 [tilespmem:s0], [sflag:$0x3], $0x80, s22, s3, $0xb8;
	[tilespmem:$0x1BE00] =	vst v63  }
0x42: {  	s28 =	simm.s32 $0x4;
	s26 =	sadd.s32 $0x100, s18;
	s22 =	simm.s32 @!p1 $0x3  }
0x43: {  	s29 =	sadd.s32 $0x20, s16;
	s0 =	simm.s32 $0x3;
	_ =	swait.ge @!p1 [sflag:s22], $0x4000  }
.LBB2_2:
0x44: {  	p3 =	sge.u32 s0, s7  }
0x45: {  	[sflag:s22] =	ssyncset.done @!p1 $0x0;
	s23 =	smov.u32 s31;
	s31 =	sadd.s32 $0x2, s31  }
0x46: {  	s21 =	simm.s32 @!p3 $0x0;
	s0 =	simm.s32 @!p3 $0x80;
	s9 =	simm.s32 @!p3 $0x4  }
0x47: {  	p2 =	sne.s32 s31, $0x78;
	[sflag:s22] =	ssyncadd.s32 @!p1 $0xFFFFC000;
	p1 =	por p3, p3  }
0x48: {  	[tilespmem:s0], [sflag:$0x4] =	stream.linear.gather @!p1 [hbm4b:s30+s21], $0x80, $0x38;
	[tilespmem:$0x1BE00] =	vst v63  }
0x49: {  	_ =	swait.ge @!p1 [sflag:s9], $0x80  }
0x4a: {  	s3 =	simm.s32 @!p1 $0x180;
	[sflag:s9] =	ssyncset.done @!p1 $0x0  }
0x4b: {  	[sflag:s9] =	ssyncadd.s32 @!p1 $0xFFFFFF80  }
0x4c: {  	[tilespmem:s3], [sflag:$0x4] =	stream.linear.gather @!p1 [hbm4b:s29+s21], $0x80, $0x38;
	[tilespmem:$0x1BE00] =	vst v63  }
0x4d: {  	s22 =	sadd.s32 $0xFFFFFFFE, s28;
	_ =	swait.ge @!p1 [sflag:s9], $0x80  }
0x4e: {  	p4 =	sge.u32 s22, s7;
	s21 =	simm.s32 @!p1 $0x4200;
	[sflag:s9] =	ssyncset.done @!p1 $0x0  }
0x4f: {  	[sflag:s9] =	ssyncadd.s32 @!p1 $0xFFFFFF80;
	s9 =	simm.s32 @!p4 $0x1  }
0x50: {  	[tilespmem:s21], [sflag:$0x2] =	stream.indirect.gather @!p1 [hbm4b:s4+s0], $0x80, s0, s0, $0xb8;
	[tilespmem:$0x1BE00] =	vst v63  }
0x51: {  	s22 =	simm.s32 @!p4 $0x200;
	_ =	swait.ge @!p4 [sflag:s9], $0x4000  }
0x52: {  	s11 =	simm.s32 @!p4 $0x80;
	s12 =	simm.s32 @!p4 $0x100;
	[sflag:s9] =	ssyncset.done @!p4 $0x0  }
0x53: {  	p3 =	sge.u32 s28, s7;
	[sflag:s9] =	ssyncadd.s32 @!p4 $0xFFFFC000;
	s9 =	simm.s32 @!p4 $0x4  }
0x54: {  	[spmem:s1] =	stream.indirect.scatter.add.f32 @!p4 [tilespmem:s22], [sflag:$0x4], $0x80, s12, s11, $0xb8;
	[tilespmem:$0x1BE00] =	vst v63  }
0x55: {  	s28 =	smov.u32 s23;
	s11 =	sshrl.u32 @!p3 s26, $0x3;
	_ =	swait.ge @!p4 [sflag:s9], $0x4000  }
0x56: {  	s22 =	simm.s32 @!p3 $0x0;
	s12 =	sadd.s32 @!p3 s5, s11;
	[sflag:s9] =	ssyncset.done @!p4 $0x0  }
0x57: {  	s11 =	sadd.s32 @!p3 s6, s11;
	[sflag:s9] =	ssyncadd.s32 @!p4 $0xFFFFC000;
	s9 =	simm.s32 @!p3 $0x4  }
0x58: {  	[tilespmem:s22], [sflag:$0x4] =	stream.linear.gather @!p3 [hbm4b:s12+s22], $0x80, $0x38;
	[tilespmem:$0x1BE00] =	vst v63  }
0x59: {  	_ =	swait.ge @!p3 [sflag:s9], $0x80  }
0x5a: {  	s12 =	simm.s32 @!p3 $0x100;
	[sflag:s9] =	ssyncset.done @!p3 $0x0  }
0x5b: {  	[sflag:s9] =	ssyncadd.s32 @!p3 $0xFFFFFF80  }
0x5c: {  	[tilespmem:s12], [sflag:$0x4] =	stream.linear.gather @!p3 [hbm4b:s11+s22], $0x80, $0x38;
	[tilespmem:$0x1BE00] =	vst v63  }
0x5d: {  	s11 =	simm.s32 @!p3 $0x200;
	_ =	swait.ge @!p3 [sflag:s9], $0x80  }
0x5e: {  	s23 =	simm.s32 @!p1 $0x2;
	s12 =	simm.s32 @!p3 $0x80;
	[sflag:s9] =	ssyncset.done @!p3 $0x0  }
0x5f: {  	[sflag:s9] =	ssyncadd.s32 @!p3 $0xFFFFFF80  }
0x60: {  	[tilespmem:s11], [sflag:$0x1] =	stream.indirect.gather @!p3 [hbm4b:s4+s12], $0x80, s22, s12, $0xb8;
	[tilespmem:$0x1BE00] =	vst v63  }
.Ltmp0:
0x61: {  	_ =	swait.ge @!p1 [sflag:s23], $0x4000;
	(pc) =	sbr.rel @p2 .LBB2_2-.Ltmp0, $4  }
0x62: {  	s22 =	simm.s32 @!p1 $0x3;
	[sflag:s23] =	ssyncset.done @!p1 $0x0  }
0x63: {  	s30 =	sadd.s32 $0x20, s30;
	s26 =	sadd.s32 $0x100, s26;
	[sflag:s23] =	ssyncadd.s32 @!p1 $0xFFFFC000  }
0x64: {  	[spmem:s1] =	stream.indirect.scatter.add.f32 @!p1 [tilespmem:s21], [sflag:$0x3], $0x80, s3, s0, $0xb8;
	[tilespmem:$0x1BE00] =	vst v63  }
0x65: {  	s29 =	sadd.s32 $0x20, s29;
	s0 =	sadd.s32 $0xFFFFFFFF, s28;
	_ =	swait.ge @!p1 [sflag:s22], $0x4000  }
0x66: {  	p2 =	sge.u32 s0, s7  }
0x67: {  	[sflag:s22] =	ssyncset.done @!p1 $0x0;
	s0 =	simm.s32 @!p2 $0x0;
	s3 =	simm.s32 @!p2 $0x80  }
0x68: {  	s9 =	simm.s32 @!p2 $0x4;
	[sflag:s22] =	ssyncadd.s32 @!p1 $0xFFFFC000;
	p1 =	por p2, p2  }
0x69: {  	[tilespmem:s3], [sflag:$0x4] =	stream.linear.gather @!p1 [hbm4b:s30+s0], $0x80, $0x38;
	[tilespmem:$0x1BE00] =	vst v63  }
0x6a: {  	_ =	swait.ge @!p1 [sflag:s9], $0x80  }
0x6b: {  	[sflag:s9] =	ssyncset.done @!p1 $0x0  }
0x6c: {  	s11 =	simm.s32 @!p1 $0x180;
	[sflag:s9] =	ssyncadd.s32 @!p1 $0xFFFFFF80  }
0x6d: {  	[tilespmem:s11], [sflag:$0x4] =	stream.linear.gather @!p1 [hbm4b:s29+s0], $0x80, $0x38;
	[tilespmem:$0x1BE00] =	vst v63  }
0x6e: {  	s31 =	sadd.s32 $0xFFFFFFFE, s28;
	_ =	swait.ge @!p1 [sflag:s9], $0x80  }
0x6f: {  	p3 =	sge.u32 s31, s7;
	[sflag:s9] =	ssyncset.done @!p1 $0x0  }
0x70: {  	s0 =	simm.s32 @!p1 $0x4200;
	[sflag:s9] =	ssyncadd.s32 @!p1 $0xFFFFFF80;
	s9 =	simm.s32 @!p3 $0x1  }
0x71: {  	[tilespmem:s0], [sflag:$0x2] =	stream.indirect.gather @!p1 [hbm4b:s4+s3], $0x80, s3, s3, $0xb8;
	[tilespmem:$0x1BE00] =	vst v63  }
0x72: {  	_ =	swait.ge @!p3 [sflag:s9], $0x4000  }
0x73: {  	s12 =	simm.s32 @!p3 $0x200;
	s21 =	simm.s32 @!p3 $0x80;
	[sflag:s9] =	ssyncset.done @!p3 $0x0  }
0x74: {  	s22 =	simm.s32 @!p3 $0x100;
	[sflag:s9] =	ssyncadd.s32 @!p3 $0xFFFFC000;
	s9 =	simm.s32 @!p3 $0x4  }
0x75: {  	[spmem:s1] =	stream.indirect.scatter.add.f32 @!p3 [tilespmem:s12], [sflag:$0x4], $0x80, s22, s21, $0xb8;
	[tilespmem:$0x1BE00] =	vst v63  }
0x76: {  	p2 =	sge.u32 s28, s7;
	_ =	swait.ge @!p3 [sflag:s9], $0x4000  }
0x77: {  	s12 =	sshrl.u32 @!p2 s26, $0x3;
	s22 =	simm.s32 @!p2 $0x0;
	[sflag:s9] =	ssyncset.done @!p3 $0x0  }
0x78: {  	s21 =	sadd.s32 @!p2 s5, s12;
	[sflag:s9] =	ssyncadd.s32 @!p3 $0xFFFFC000;
	s9 =	simm.s32 @!p2 $0x4  }
0x79: {  	[tilespmem:s22], [sflag:$0x4] =	stream.linear.gather @!p2 [hbm4b:s21+s22], $0x80, $0x38;
	[tilespmem:$0x1BE00] =	vst v63  }
0x7a: {  	_ =	swait.ge @!p2 [sflag:s9], $0x80  }
0x7b: {  	[sflag:s9] =	ssyncset.done @!p2 $0x0  }
0x7c: {  	s12 =	sadd.s32 @!p2 s6, s12;
	s21 =	simm.s32 @!p2 $0x100;
	[sflag:s9] =	ssyncadd.s32 @!p2 $0xFFFFFF80  }
0x7d: {  	[tilespmem:s21], [sflag:$0x4] =	stream.linear.gather @!p2 [hbm4b:s12+s22], $0x80, $0x38;
	[tilespmem:$0x1BE00] =	vst v63  }
0x7e: {  	_ =	swait.ge @!p2 [sflag:s9], $0x80  }
0x7f: {  	s23 =	simm.s32 @!p1 $0x2;
	[sflag:s9] =	ssyncset.done @!p2 $0x0  }
0x80: {  	s12 =	simm.s32 @!p2 $0x200;
	s21 =	simm.s32 @!p2 $0x80;
	[sflag:s9] =	ssyncadd.s32 @!p2 $0xFFFFFF80  }
0x81: {  	[tilespmem:s12], [sflag:$0x1] =	stream.indirect.gather @!p2 [hbm4b:s4+s21], $0x80, s22, s21, $0xb8;
	[tilespmem:$0x1BE00] =	vst v63  }
0x82: {  	_ =	swait.ge @!p1 [sflag:s23], $0x4000  }
0x83: {  	[sflag:s23] =	ssyncset.done @!p1 $0x0  }
0x84: {  	s9 =	simm.s32 @!p1 $0x3;
	[sflag:s23] =	ssyncadd.s32 @!p1 $0xFFFFC000  }
0x85: {  	[spmem:s1] =	stream.indirect.scatter.add.f32 @!p1 [tilespmem:s0], [sflag:$0x3], $0x80, s11, s3, $0xb8;
	[tilespmem:$0x1BE00] =	vst v63  }
0x86: {  	_ =	swait.ge @!p1 [sflag:s9], $0x4000  }
0x87: {  	[sflag:s9] =	ssyncset.done @!p1 $0x0  }
0x88: {  	[sflag:s9] =	ssyncadd.s32 @!p1 $0xFFFFC000  }
0x89: {  	s0 =	simm.s32 @p0 $0x3;
	[bflag:$0x0] =	sbarrier.arrive $0xFFFF  }
0x8a: {  	[hbm:s14], [sflag:s10] =	dma.local @p0 [spmem:s24], $0x2080  }
0x8b: {  	_ =	swait.ge @p0 [sflag:s0], $0x2080  }
0x8c: {  	s25 =	sadd.s32 $0x1, s25;
	[sflag:s0] =	ssyncset.done @p0 $0x0  }
0x8d: {  	p1 =	sne.s32 s25, s15;
	[sflag:s0] =	ssyncadd.s32 @p0 $0xFFFFDF80;
	s0 =	sshrl.u32 @!p0 s8, $0x3  }
0x8e: {  	[hbm:s13], [sflag:s10] =	dma.local @!p0 [spmem:s0], $0x2780  }
.Ltmp1:
0x8f: {  	_ = 	snop;
	(pc) =	sbr.rel @p1 .LBB2_1-.Ltmp1, $4  }
0x90: {  	s0 =	simm.s32 @!p0 $0x3  }
0x91: {  	_ =	swait.ge @!p0 [sflag:s0], $0x2780  }
0x92: {  	[sflag:s0] =	ssyncset.done @!p0 $0x0  }
0x93: {  	[sflag:s0] =	ssyncadd.s32 @!p0 $0xFFFFD880  }
0x94: {  	_ =	sfence.sel $0x180000  }
0x95: {  	[bflag:$0x0] =	sbarrier.arrive $0xFFFF  }
0x96: {  	_ =	strace $0x9000004A  }
0x97: {  	s0 =	stileid.u32;
	[bflag:$0x2] =	sbarrier.arrive $0xFFFF  }
0x98: {  	p0 =	sne.s32 s0, $0x0;
	s0 =	rddreg [dreg:$0x2]  }
0x99: {  	s0 =	sadd.s32 @!p0 $0x100000, s0  }
0x9a: {  	[sflag:s0] =	ssyncadd.tile.s32 @!p0 $0x1;
	_ =	shalt  }
.Lfunc_end2:
_tile_overlayer_lowered:
.L_overlay_start_2:
0x9b: {  	(tag) =	ssettag $0x2  }
0x9c: {  	s0 =	rddreg [dreg:$0x0];
	s2 =	stileid.u32  }
0x9d: {  	s1 =	rddreg [dreg:$0x1];
	p0 =	sne.s32 s2, $0x0  }
0x9e: {  	s3 =	rddreg [dreg:$0x2];
	[bflag:$0x3] =	sbarrier.arrive $0xFFFF;
	s2 =	simm.s32 @!p0 $0x1C03  }
0x9f: {  	[timem:s3], [sflag:s2] =	dma.local @!p0 [hbm:s0], s1  }
0xa0: {  	s0 =	simm.s32 @!p0 $0x3  }
0xa1: {  	_ =	swait.ge @!p0 [sflag:s0], s1  }
0xa2: {  	s1 =	ssub.s32 @!p0 $0x0, s1;
	[sflag:s0] =	ssyncset.done @!p0 $0x0  }
0xa3: {  	[sflag:s0] =	ssyncadd.s32 @!p0 s1  }
0xa4: {  	[bflag:$0x3] =	sbarrier.arrive $0xFFFF  }
0xa5: {  	_ =	shalt  }

// kernel: kernel.14.cloned.1.call-start
scs
__scs_entry_jumppad:
0x0: {  	(pc) =	sbr.rel $0x88, $3  }
0x1: {  	(tag) =	ssettag $0x0;
	lr =	simm.s32 $0x1  }
0x2: {  	[smem:$0x3F9B] =	sst lr;
	_ =	strace $0xD0000000  }
0x3: {  	_ = 	snop  }
0x4: {  	_ = 	snop  }
0x5: {  	_ = 	snop  }
0x6: {  	_ = 	snop  }
0x7: {  	_ = 	snop  }
__scs_overlays_trampoline_lowered:
0x8: {  	[smem:$0x3FAA] =	sst s0  }
0x9: {  	[smem:$0x3FAB] =	sst s1  }
0xa: {  	[smem:$0x3FAC] =	sst s2  }
0xb: {  	[smem:$0x3FAD] =	sst s3  }
0xc: {  	[smem:$0x3FAE] =	sst s4  }
0xd: {  	[smem:$0x3FAF] =	sst s5  }
0xe: {  	[smem:$0x3FB0] =	sst s6  }
0xf: {  	[smem:$0x3FB1] =	sst s7  }
0x10: {  	[smem:$0x3FB2] =	sst s8  }
0x11: {  	[smem:$0x3FB3] =	sst s9;
	s0 =	simm.s32 @!p0 $0x0  }
0x12: {  	s1 =	sld [smem:$0x3F99];
	s0 =	simm.s32 @p0 $0x1  }
0x13: {  	[smem:$0x3FB4] =	sst s0;
	s0 =	simm.s32 @!p1 $0x0  }
0x14: {  	s2 =	sld [smem:$0x3F98];
	s0 =	simm.s32 @p1 $0x1  }
0x15: {  	[smem:$0x3FB5] =	sst s0;
	s0 =	simm.s32 @!p2 $0x0  }
0x16: {  	s3 =	sld [smem:$0x3FDB];
	s0 =	simm.s32 @p2 $0x1  }
0x17: {  	s4 =	simm.s32 $0x1BF5;
	[smem:$0x3FB7] =	sst s0  }
0x18: {  	s0 =	sld [smem:$0x3F9A];
	_ =	swait.ge [sflag:s4], $0x0  }
0x19: {  	s7 =	sld [smem:$0x3F9B]  }
0x1a: {  	s8 =	sadd.s32 $0xFFFFE003, lr  }
0x1b: {  	s9 =	sadd.s32 $0xFFFFFEF7, lr;
	s5 =	simm.s32 $0xFFFFFFFF;
	p2 =	slt.u32 s8, $0xFFFFF086  }
0x1c: {  	p1 =	slt.u32 s9, $0xF7A;
	s5 =	simm.s32 @!p2 $0x0  }
0x1d: {  	s5 =	simm.s32 @p1 $0x1;
	p0 =	seq.s32 s7, s2  }
0x1e: {  	s7 =	smul.u32 @!p0 $0xF7A, s2;
	p2 =	seq.s32 @!p0 s5, $0x0  }
0x1f: {  	s9 =	smul.u32 $0xF7A, s1;
	s8 =	simm.s32 @!p0 $0x1BF5;
	p2 =	por !p2, p0  }
0x20: {  	[sflag:s8] =	ssyncset.s32 @!p0 $0xFFFFF086;
	s6 =	sadd.s32 @!p0 s3, s7;
	s7 =	simm.s32 @!p0 $0x108  }
0x21: {  	s3 =	sadd.s32 s3, s9;
	s6 =	sadd.s32 @!p0 $0x88, s6;
	s7 =	simm.s32 @p2 $0x1082  }
0x22: {  	[simem:s7], [sflag:s8] =	dma.local @!p0 [hbm:s6], $0xF7A  }
0x23: {  	s9 =	sor.u32 $0xD0000000, s2;
	s6 =	simm.s32 $0x108;
	_ =	swait.ge @!p0 [sflag:s8], $0x0  }
0x24: {  	s3 =	sadd.s32 $0x88, s3;
	s6 =	simm.s32 @!p1 $0x1082;
	[sflag:s4] =	ssyncset.s32 $0xFFFFF086  }
0x25: {  	[simem:s6], [sflag:s4] =	dma.local [hbm:s3], $0xF7A  }
0x26: {  	[smem:$0x3F9B] =	sst s1;
	(tag) =	ssettag s2;
	_ =	strace s9  }
0x27: {  	s1 =	sld [smem:$0x3FAB]  }
0x28: {  	s2 =	sld [smem:$0x3FAC]  }
0x29: {  	s4 =	sld [smem:$0x3FAE]  }
0x2a: {  	p0 =	seq.s32 s5, $0x0;
	s5 =	sld [smem:$0x3FAF]  }
0x2b: {  	s6 =	sld [smem:$0x3FB0]  }
0x2c: {  	s7 =	sld [smem:$0x3FB1]  }
0x2d: {  	s3 =	simm.s32 $0x108;
	s8 =	sld [smem:$0x3FB2]  }
0x2e: {  	s3 =	simm.s32 @!p0 $0x1082;
	s9 =	sld [smem:$0x3FB3]  }
0x2f: {  	lr =	sadd.s32 s0, s3;
	s0 =	sld [smem:$0x3FAA]  }
0x30: {  	s3 =	sld [smem:$0x3FAD]  }
0x31: {  	[smem:$0x3FB6] =	sst s10  }
0x32: {  	s10 =	sld [smem:$0x3FB4];
	_ =	sdelay $0x3  }
0x33: {  	p0 =	seq.s32 s10, $0x1;
	s10 =	sld [smem:$0x3FB6];
	_ =	sdelay $0x3  }
0x34: {  	[smem:$0x3FB6] =	sst s10  }
0x35: {  	s10 =	sld [smem:$0x3FB5];
	_ =	sdelay $0x3  }
0x36: {  	p1 =	seq.s32 s10, $0x1;
	s10 =	sld [smem:$0x3FB6];
	_ =	sdelay $0x3  }
0x37: {  	[smem:$0x3FB6] =	sst s10  }
0x38: {  	s10 =	sld [smem:$0x3FB7]  }
0x39: {  	_ = 	snop;
	(pc) =	sbr.ind lr, $3  }
0x3a: {  	_ = 	snop  }
0x3b: {  	_ = 	snop  }
0x3c: {  	p2 =	seq.s32 s10, $0x1;
	s10 =	sld [smem:$0x3FB6]  }
0x3d: {  	_ =	shalt  }
0x3e: {  	_ =	shalt  }
0x3f: {  	_ =	shalt  }
0x40: {  	_ =	shalt  }
0x41: {  	_ =	shalt  }
0x42: {  	_ =	shalt  }
0x43: {  	_ =	shalt  }
0x44: {  	_ =	shalt  }
0x45: {  	_ =	shalt  }
0x46: {  	_ =	shalt  }
0x47: {  	_ =	shalt  }
0x48: {  	_ =	shalt  }
0x49: {  	_ =	shalt  }
0x4a: {  	_ =	shalt  }
0x4b: {  	_ =	shalt  }
0x4c: {  	_ =	shalt  }
0x4d: {  	_ =	shalt  }
0x4e: {  	_ =	shalt  }
0x4f: {  	_ =	shalt  }
0x50: {  	_ =	shalt  }
0x51: {  	_ =	shalt  }
0x52: {  	_ =	shalt  }
0x53: {  	_ =	shalt  }
0x54: {  	_ =	shalt  }
0x55: {  	_ =	shalt  }
0x56: {  	_ =	shalt  }
0x57: {  	_ =	shalt  }
0x58: {  	_ =	shalt  }
0x59: {  	_ =	shalt  }
0x5a: {  	_ =	shalt  }
0x5b: {  	_ =	shalt  }
0x5c: {  	_ =	shalt  }
0x5d: {  	_ =	shalt  }
0x5e: {  	_ =	shalt  }
0x5f: {  	_ =	shalt  }
0x60: {  	_ =	shalt  }
0x61: {  	_ =	shalt  }
0x62: {  	_ =	shalt  }
0x63: {  	_ =	shalt  }
0x64: {  	_ =	shalt  }
0x65: {  	_ =	shalt  }
0x66: {  	_ =	shalt  }
0x67: {  	_ =	shalt  }
0x68: {  	_ =	shalt  }
0x69: {  	_ =	shalt  }
0x6a: {  	_ =	shalt  }
0x6b: {  	_ =	shalt  }
0x6c: {  	_ =	shalt  }
0x6d: {  	_ =	shalt  }
0x6e: {  	_ =	shalt  }
0x6f: {  	_ =	shalt  }
0x70: {  	_ =	shalt  }
0x71: {  	_ =	shalt  }
0x72: {  	_ =	shalt  }
0x73: {  	_ =	shalt  }
0x74: {  	_ =	shalt  }
0x75: {  	_ =	shalt  }
0x76: {  	_ =	shalt  }
0x77: {  	_ =	shalt  }
0x78: {  	_ =	shalt  }
0x79: {  	_ =	shalt  }
0x7a: {  	_ =	shalt  }
0x7b: {  	_ =	shalt  }
0x7c: {  	_ =	shalt  }
0x7d: {  	_ =	shalt  }
0x7e: {  	_ =	shalt  }
0x7f: {  	_ =	shalt  }
0x80: {  	_ =	shalt  }
0x81: {  	_ =	shalt  }
0x82: {  	_ =	shalt  }
0x83: {  	_ =	shalt  }
0x84: {  	_ =	shalt  }
0x85: {  	_ =	shalt  }
0x86: {  	_ =	shalt  }
0x87: {  	_ =	shalt  }
.Lfunc_end0:
.L_simem_size_0:
called_computation.2_lowered:
.L_overlay_start_0:
0x88: {  	s2 =	sld [smem:$0x3FD9]  }
0x89: {  	s3 =	sld [smem:$0x3FFE];
	_ =	sdelay $0x1  }
0x8a: {  	s1 =	srdreg.scid  }
0x8b: {  	s0 =	sand.u32 $0x1, s1  }
0x8c: {  	s16 =	sshll.u32 s0, $0xA;
	s2 =	sadd.s32 s3, s2  }
0x8d: {  	s2 =	sadd.s32 s2, s16  }
0x8e: {  	[smem:$0x3FC2] =	sst s2  }
0x8f: {  	_ = 	snop  }
0x90: {  	(tm) =	ssettm $0x1  }
0x91: {  	s17 =	sld [smem:$0x3FFB];
	_ =	sdelay $0x3  }
0x92: {  	_ =	strace s17  }
0x93: {  	s2 =	sld [smem:$0x3FFC];
	_ =	sdelay $0x3  }
0x94: {  	_ =	strace s2  }
0x95: {  	s2 =	sld [smem:$0x3FFD];
	_ =	sdelay $0x3  }
0x96: {  	_ =	strace s2  }
0x97: {  	_ =	strace $0x8FFFFFFF  }
0x98: {  	s18 =	sld [smem:$0x3FDB];
	_ =	sdelay $0x1  }
0x99: {  	s19 =	simm.s32 $_scs_section_size  }
0x9a: {  	s4 =	simm.s32 $_size__tile_overlayer_lowered;
	s5 =	simm.s32 $_tile_overlayer_lowered  }
0x9b: {  	s22 =	simm.s32 $0x1BFF;
	s21 =	sshll.u32 s5, $0x1;
	s2 =	sadd.s32 s19, s18  }
0x9c: {  	s6 =	simm.s32 $0x0;
	s20 =	sshll.u32 s4, $0x1;
	s4 =	sadd.s32 s21, s2  }
0x9d: {  	[timem:s6], [sflag:s22] =	dma.local [hbm:s4], s20  }
0x9e: {  	_ =	swait.ge [sflag:s22], s20  }
0x9f: {  	s3 =	ssub.s32 $0x0, s20;
	[sflag:s22] =	ssyncset.done $0x0  }
0xa0: {  	[sflag:s22] =	ssyncadd.s32 s3;
	_ =	sdelay $0x1  }
0xa1: {  	s23 =	simm.s32 $0x1B8B  }
0xa2: {  	_ =	swait.ge [sflag:s23], $0x1  }
0xa3: {  	[sflag:s23] =	ssyncset.done $0x0  }
0xa4: {  	s25 =	simm.s32 $0x1B8E;
	s24 =	sld [smem:$0x3FFE];
	[sflag:s23] =	ssyncadd.s32 $0xFFFFFFFF  }
0xa5: {  	s26 =	simm.s32 $execute0_lowered;
	[smem:$0x3FD2] =	sst s25  }
0xa6: {  	s4 =	sshll.u32 s26, $0x1;
	_ =	strace $0x8000004C;
	[dreg:$0x1] =	wrdreg $0xFFFFFFFF  }
0xa7: {  	s28 =	simm.s32 $_size_execute0_lowered;
	s2 =	sadd.s32 s2, s4;
	[dreg:$0x0] =	wrdreg $0x0  }
0xa8: {  	s4 =	sshll.u32 s28, $0x1;
	[dreg:$0x2] =	wrdreg s2  }
0xa9: {  	[dreg:$0x3] =	wrdreg s4  }
0xaa: {  	[dreg:$0x4] =	wrdreg $0xC0  }
0xab: {  	_ =	task [dreg:s6], $0x5FFFF  }
0xac: {  	[dreg:$0x1] =	wrdreg $0xFFFFFFFF  }
0xad: {  	[dreg:$0x0] =	wrdreg $0x60  }
0xae: {  	[dreg:$0x2] =	wrdreg s24  }
0xaf: {  	[dreg:$0x3] =	wrdreg $0x82000  }
0xb0: {  	[dreg:$0x4] =	wrdreg $0x9  }
0xb1: {  	_ =	task.clear_ibuf [dreg:s6], $0x5FFFF;
	_ =	strace $0x9000004C  }
0xb2: {  	s29 =	simm.s32 $0x9;
	_ =	strace $0x8000004E  }
0xb3: {  	_ =	swait.ge [sflag:s29], $0x1  }
0xb4: {  	[sflag:s29] =	ssyncadd.s32 $0xFFFFFFFF  }
0xb5: {  	_ =	strace $0x9000004E  }
0xb6: {  	_ =	sfence  }
0xb7: {  	s30 =	sld [smem:$0x0];
	_ =	sdelay $0x2  }
0xb8: {  	s31 =	sshll.u32 s1, $0xD;
	s1 =	sshrl.u32 s1, $0x2  }
0xb9: {  	s3 =	sand.u32 $0x4000, s31;
	s1 =	sadd.s32 s1, s30  }
0xba: {  	s0 =	sor.u32 s3, s0;
	s1 =	sshll.u32 s1, $0x11  }
0xbb: {  	s0 =	sor.u32 s1, s0  }
0xbc: {  	s0 =	sadd.s32 $0x8F2B, s0  }
0xbd: {  	[sflag:s0] =	ssyncadd.remote.s32 $0x1  }
0xbe: {  	_ =	sfence.sel $0xFFFF  }
0xbf: {  	[dreg:$0x0] =	wrdreg $0xFFFFFFFF;
	(pc) =	sbr.abs _section_cstart, $3  }
0xc0: {  	[dreg:$0x1] =	wrdreg $0xFFFFFFFF  }
0xc1: {  	_ =	task.clear_ibuf [dreg:s6], $0x2FFFF;
	_ =	strace $0x9FFFFFFF  }
0xc2: {  	(tm) =	ssettm $0x7FFFFFFF  }
0xc3: {  	_ =	shalt  }
tec
execute0_lowered:
.L_overlay_start_1:
0x0: {  	(tag) =	ssettag $0x1  }
0x1: {  	s0 =	rddreg [dreg:$0x0]  }
0x2: {  	s1 =	rddreg [dreg:$0x1];
	s2 =	simm.s32 $0x0  }
0x3: {  	s3 =	srdreg.scid;
	s22 =	stileid.u32;
	s20 =	simm.s32 $0x3  }
0x4: {  	[smem:$0x7FF] =	sst s2;
	s3 =	sand.u32 $0x1, s3;
	s13 =	smul.u32 $0x2780, s22  }
0x5: {  	s4 =	sadd.s32 $0x3D800, s0;
	s5 =	sadd.s32 $0xC000, s0;
	s8 =	smul.u32 $0x4F000, s22  }
0x6: {  	s6 =	sadd.s32 $0x2000, s0;
	s25 =	sshll.u32 s22, $0x6;
	s7 =	smul.u32 $0xFFFFFFB4, s3  }
0x7: {  	s21 =	sadd.s32 $0x128400, s1;
	p0 =	seq.s32 s22, $0xF;
	s14 =	smul.u32 $0x3B000, s3  }
0x8: {  	_ =	strace $0x8000004D;
	s10 =	ssub.s32 $0x2, s3;
	s24 =	smul.u32 $0x27100, s3  }
0x9: {  	s3 =	smul.u32 $0x138800, s3;
	s9 =	sadd.s32 s13, s0;
	s0 =	sadd.s32 $0x8BA00, s0  }
0xa: {  	s12 =	sshrl.u32 s10, $0x1;
	s8 =	sshrl.u32 s8, $0x2;
	s7 =	sadd.s32 $0x76, s7  }
0xb: {  	s15 =	ssub.s32 s10, s12;
	s8 =	sadd.s32 s8, s1;
	s9 =	sadd.s32 $0x16000, s9  }
0xc: {  	s10 =	sor.u32 $0x1C03, s25;
	s13 =	sadd.s32 s13, s24;
	s11 =	smul.u32 s7, s22  }
0xd: {  	s3 =	sshrl.u32 s3, $0x3;
	s24 =	sshrl.u32 @p0 s21, $0x3;
	s25 =	simm.s32 $0x0  }
0xe: {  	[dreg:$0x3] =	wrdreg s9;
	s13 =	sadd.s32 s0, s13;
	s23 =	sshll.u32 s11, $0x7  }
0xf: {  	s0 =	sadd.s32 s0, s3;
	s15 =	smax.u32 s15, $0x1;
	s18 =	sadd.s32 s14, s23  }
0x10: {  	s19 =	sshrl.u32 s8, $0x3;
	s14 =	sadd.s32 $0x25080, s0;
	s26 =	sshrl.u32 s18, $0x3  }
0x11: {  	s30 =	sor.u32 $0x80, s18;
	s18 =	sadd.s32 $0x100, s18;
	s28 =	sadd.s32 s5, s26  }
0x12: {  	s29 =	sadd.s32 s6, s26;
	s31 =	sshrl.u32 s30, $0x3;
	[dreg:$0x4] =	wrdreg s28  }
0x13: {  	[dreg:$0x5] =	wrdreg s29;
	s16 =	sadd.s32 s31, s6;
	s17 =	sadd.s32 s31, s5  }
.LBB2_1:
0x14: {  	s0 =	rddreg [dreg:$0x3]  }
0x15: {  	[spmem:s19], [sflag:s10] =	dma.local [hbm:s0], $0x2780  }
0x16: {  	_ =	swait.ge [sflag:s20], $0x2780  }
0x17: {  	[sflag:s20] =	ssyncset.done $0x0  }
0x18: {  	[sflag:s20] =	ssyncadd.s32 $0xFFFFD880  }
0x19: {  	[bflag:$0x0] =	sbarrier.arrive $0xFFFF  }
0x1a: {  	s21 =	rddreg [dreg:$0x4]  }
0x1b: {  	[tilespmem:s2], [sflag:$0x3] =	stream.linear.gather [hbm4b:s21+s2], $0x80, $0x38;
	[tilespmem:$0x1BE00] =	vst v63  }
0x1c: {  	_ =	swait.ge [sflag:s20], $0x80  }
0x1d: {  	[sflag:s20] =	ssyncset.done $0x0  }
0x1e: {  	s3 =	simm.s32 $0x100;
	s22 =	rddreg [dreg:$0x5];
	[sflag:s20] =	ssyncadd.s32 $0xFFFFFF80  }
0x1f: {  	[tilespmem:s3], [sflag:$0x3] =	stream.linear.gather [hbm4b:s22+s2], $0x80, $0x38;
	[tilespmem:$0x1BE00] =	vst v63  }
0x20: {  	_ =	swait.ge [sflag:s20], $0x80  }
0x21: {  	s23 =	simm.s32 $0x80;
	p1 =	sle.u32 s7, $0x1;
	[sflag:s20] =	ssyncset.done $0x0  }
0x22: {  	s26 =	simm.s32 $0x200;
	s0 =	simm.s32 @!p1 $0x0;
	[sflag:s20] =	ssyncadd.s32 $0xFFFFFF80  }
0x23: {  	[tilespmem:s26], [sflag:$0x1] =	stream.indirect.gather [hbm4b:s4+s23], $0x80, s2, s23, $0xb8;
	[tilespmem:$0x1BE00] =	vst v63  }
0x24: {  	s21 =	simm.s32 @!p1 $0x4;
	s3 =	simm.s32 @!p1 $0x80;
	p1 =	por p1, p1  }
0x25: {  	[tilespmem:s3], [sflag:$0x4] =	stream.linear.gather @!p1 [hbm4b:s17+s0], $0x80, $0x38;
	[tilespmem:$0x1BE00] =	vst v63  }
0x26: {  	_ =	swait.ge @!p1 [sflag:s21], $0x80  }
0x27: {  	[sflag:s21] =	ssyncset.done @!p1 $0x0  }
0x28: {  	s22 =	simm.s32 @!p1 $0x180;
	[sflag:s21] =	ssyncadd.s32 @!p1 $0xFFFFFF80  }
0x29: {  	[tilespmem:s22], [sflag:$0x4] =	stream.linear.gather @!p1 [hbm4b:s16+s0], $0x80, $0x38;
	[tilespmem:$0x1BE00] =	vst v63  }
0x2a: {  	_ =	swait.ge @!p1 [sflag:s21], $0x80  }
0x2b: {  	p3 =	sle.u32 s7, $0x0;
	[sflag:s21] =	ssyncset.done @!p1 $0x0  }
0x2c: {  	s0 =	simm.s32 @!p1 $0x4200;
	[sflag:s21] =	ssyncadd.s32 @!p1 $0xFFFFFF80;
	s21 =	simm.s32 @!p3 $0x1  }
0x2d: {  	[tilespmem:s0], [sflag:$0x2] =	stream.indirect.gather @!p1 [hbm4b:s4+s3], $0x80, s3, s3, $0xb8;
	[tilespmem:$0x1BE00] =	vst v63  }
0x2e: {  	_ =	swait.ge @!p3 [sflag:s21], $0x4000  }
0x2f: {  	s28 =	simm.s32 @!p3 $0x80;
	s29 =	simm.s32 @!p3 $0x100;
	[sflag:s21] =	ssyncset.done @!p3 $0x0  }
0x30: {  	s26 =	simm.s32 @!p3 $0x200;
	[sflag:s21] =	ssyncadd.s32 @!p3 $0xFFFFC000;
	s21 =	simm.s32 @!p3 $0x4  }
0x31: {  	[spmem:s1] =	stream.indirect.scatter.add.f32 @!p3 [tilespmem:s26], [sflag:$0x4], $0x80, s29, s28, $0xb8;
	[tilespmem:$0x1BE00] =	vst v63  }
0x32: {  	p2 =	sle.u32 s7, $0x2;
	_ =	swait.ge @!p3 [sflag:s21], $0x4000  }
0x33: {  	s26 =	sshrl.u32 @!p2 s18, $0x3;
	s29 =	simm.s32 @!p2 $0x0;
	[sflag:s21] =	ssyncset.done @!p3 $0x0  }
0x34: {  	s28 =	sadd.s32 @!p2 s5, s26;
	[sflag:s21] =	ssyncadd.s32 @!p3 $0xFFFFC000;
	s21 =	simm.s32 @!p2 $0x4  }
0x35: {  	[tilespmem:s29], [sflag:$0x4] =	stream.linear.gather @!p2 [hbm4b:s28+s29], $0x80, $0x38;
	[tilespmem:$0x1BE00] =	vst v63  }
0x36: {  	_ =	swait.ge @!p2 [sflag:s21], $0x80  }
0x37: {  	[sflag:s21] =	ssyncset.done @!p2 $0x0  }
0x38: {  	s26 =	sadd.s32 @!p2 s6, s26;
	s28 =	simm.s32 @!p2 $0x100;
	[sflag:s21] =	ssyncadd.s32 @!p2 $0xFFFFFF80  }
0x39: {  	[tilespmem:s28], [sflag:$0x4] =	stream.linear.gather @!p2 [hbm4b:s26+s29], $0x80, $0x38;
	[tilespmem:$0x1BE00] =	vst v63  }
0x3a: {  	_ =	swait.ge @!p2 [sflag:s21], $0x80  }
0x3b: {  	s26 =	simm.s32 @!p2 $0x200;
	[sflag:s21] =	ssyncset.done @!p2 $0x0  }
0x3c: {  	s28 =	simm.s32 @!p2 $0x80;
	[sflag:s21] =	ssyncadd.s32 @!p2 $0xFFFFFF80;
	s21 =	simm.s32 @!p1 $0x2  }
0x3d: {  	[tilespmem:s26], [sflag:$0x1] =	stream.indirect.gather @!p2 [hbm4b:s4+s28], $0x80, s29, s28, $0xb8;
	[tilespmem:$0x1BE00] =	vst v63  }
0x3e: {  	_ =	swait.ge @!p1 [sflag:s21], $0x4000  }
0x3f: {  	[sflag:s21] =	ssyncset.done @!p1 $0x0  }
0x40: {  	s31 =	simm.s32 $0x6;
	s30 =	sadd.s32 $0x20, s17;
	[sflag:s21] =	ssyncadd.s32 @!p1 $0xFFFFC000  }
0x41: {  	[spmem:s1] =	stream.indirect.scatter.add.f32 @!p1 [tilespmem:s0], [sflag:$0x3], $0x80, s22, s3, $0xb8;
	[tilespmem:$0x1BE00] =	vst v63  }
0x42: {  	s28 =	simm.s32 $0x4;
	s26 =	sadd.s32 $0x100, s18;
	s22 =	simm.s32 @!p1 $0x3  }
0x43: {  	s29 =	sadd.s32 $0x20, s16;
	s0 =	simm.s32 $0x3;
	_ =	swait.ge @!p1 [sflag:s22], $0x4000  }
.LBB2_2:
0x44: {  	p3 =	sge.u32 s0, s7  }
0x45: {  	[sflag:s22] =	ssyncset.done @!p1 $0x0;
	s23 =	smov.u32 s31;
	s31 =	sadd.s32 $0x2, s31  }
0x46: {  	s21 =	simm.s32 @!p3 $0x0;
	s0 =	simm.s32 @!p3 $0x80;
	s9 =	simm.s32 @!p3 $0x4  }
0x47: {  	p2 =	sne.s32 s31, $0x78;
	[sflag:s22] =	ssyncadd.s32 @!p1 $0xFFFFC000;
	p1 =	por p3, p3  }
0x48: {  	[tilespmem:s0], [sflag:$0x4] =	stream.linear.gather @!p1 [hbm4b:s30+s21], $0x80, $0x38;
	[tilespmem:$0x1BE00] =	vst v63  }
0x49: {  	_ =	swait.ge @!p1 [sflag:s9], $0x80  }
0x4a: {  	s3 =	simm.s32 @!p1 $0x180;
	[sflag:s9] =	ssyncset.done @!p1 $0x0  }
0x4b: {  	[sflag:s9] =	ssyncadd.s32 @!p1 $0xFFFFFF80  }
0x4c: {  	[tilespmem:s3], [sflag:$0x4] =	stream.linear.gather @!p1 [hbm4b:s29+s21], $0x80, $0x38;
	[tilespmem:$0x1BE00] =	vst v63  }
0x4d: {  	s22 =	sadd.s32 $0xFFFFFFFE, s28;
	_ =	swait.ge @!p1 [sflag:s9], $0x80  }
0x4e: {  	p4 =	sge.u32 s22, s7;
	s21 =	simm.s32 @!p1 $0x4200;
	[sflag:s9] =	ssyncset.done @!p1 $0x0  }
0x4f: {  	[sflag:s9] =	ssyncadd.s32 @!p1 $0xFFFFFF80;
	s9 =	simm.s32 @!p4 $0x1  }
0x50: {  	[tilespmem:s21], [sflag:$0x2] =	stream.indirect.gather @!p1 [hbm4b:s4+s0], $0x80, s0, s0, $0xb8;
	[tilespmem:$0x1BE00] =	vst v63  }
0x51: {  	s22 =	simm.s32 @!p4 $0x200;
	_ =	swait.ge @!p4 [sflag:s9], $0x4000  }
0x52: {  	s11 =	simm.s32 @!p4 $0x80;
	s12 =	simm.s32 @!p4 $0x100;
	[sflag:s9] =	ssyncset.done @!p4 $0x0  }
0x53: {  	p3 =	sge.u32 s28, s7;
	[sflag:s9] =	ssyncadd.s32 @!p4 $0xFFFFC000;
	s9 =	simm.s32 @!p4 $0x4  }
0x54: {  	[spmem:s1] =	stream.indirect.scatter.add.f32 @!p4 [tilespmem:s22], [sflag:$0x4], $0x80, s12, s11, $0xb8;
	[tilespmem:$0x1BE00] =	vst v63  }
0x55: {  	s28 =	smov.u32 s23;
	s11 =	sshrl.u32 @!p3 s26, $0x3;
	_ =	swait.ge @!p4 [sflag:s9], $0x4000  }
0x56: {  	s22 =	simm.s32 @!p3 $0x0;
	s12 =	sadd.s32 @!p3 s5, s11;
	[sflag:s9] =	ssyncset.done @!p4 $0x0  }
0x57: {  	s11 =	sadd.s32 @!p3 s6, s11;
	[sflag:s9] =	ssyncadd.s32 @!p4 $0xFFFFC000;
	s9 =	simm.s32 @!p3 $0x4  }
0x58: {  	[tilespmem:s22], [sflag:$0x4] =	stream.linear.gather @!p3 [hbm4b:s12+s22], $0x80, $0x38;
	[tilespmem:$0x1BE00] =	vst v63  }
0x59: {  	_ =	swait.ge @!p3 [sflag:s9], $0x80  }
0x5a: {  	s12 =	simm.s32 @!p3 $0x100;
	[sflag:s9] =	ssyncset.done @!p3 $0x0  }
0x5b: {  	[sflag:s9] =	ssyncadd.s32 @!p3 $0xFFFFFF80  }
0x5c: {  	[tilespmem:s12], [sflag:$0x4] =	stream.linear.gather @!p3 [hbm4b:s11+s22], $0x80, $0x38;
	[tilespmem:$0x1BE00] =	vst v63  }
0x5d: {  	s11 =	simm.s32 @!p3 $0x200;
	_ =	swait.ge @!p3 [sflag:s9], $0x80  }
0x5e: {  	s23 =	simm.s32 @!p1 $0x2;
	s12 =	simm.s32 @!p3 $0x80;
	[sflag:s9] =	ssyncset.done @!p3 $0x0  }
0x5f: {  	[sflag:s9] =	ssyncadd.s32 @!p3 $0xFFFFFF80  }
0x60: {  	[tilespmem:s11], [sflag:$0x1] =	stream.indirect.gather @!p3 [hbm4b:s4+s12], $0x80, s22, s12, $0xb8;
	[tilespmem:$0x1BE00] =	vst v63  }
.Ltmp0:
0x61: {  	_ =	swait.ge @!p1 [sflag:s23], $0x4000;
	(pc) =	sbr.rel @p2 .LBB2_2-.Ltmp0, $4  }
0x62: {  	s22 =	simm.s32 @!p1 $0x3;
	[sflag:s23] =	ssyncset.done @!p1 $0x0  }
0x63: {  	s30 =	sadd.s32 $0x20, s30;
	s26 =	sadd.s32 $0x100, s26;
	[sflag:s23] =	ssyncadd.s32 @!p1 $0xFFFFC000  }
0x64: {  	[spmem:s1] =	stream.indirect.scatter.add.f32 @!p1 [tilespmem:s21], [sflag:$0x3], $0x80, s3, s0, $0xb8;
	[tilespmem:$0x1BE00] =	vst v63  }
0x65: {  	s29 =	sadd.s32 $0x20, s29;
	s0 =	sadd.s32 $0xFFFFFFFF, s28;
	_ =	swait.ge @!p1 [sflag:s22], $0x4000  }
0x66: {  	p2 =	sge.u32 s0, s7  }
0x67: {  	[sflag:s22] =	ssyncset.done @!p1 $0x0;
	s0 =	simm.s32 @!p2 $0x0;
	s3 =	simm.s32 @!p2 $0x80  }
0x68: {  	s9 =	simm.s32 @!p2 $0x4;
	[sflag:s22] =	ssyncadd.s32 @!p1 $0xFFFFC000;
	p1 =	por p2, p2  }
0x69: {  	[tilespmem:s3], [sflag:$0x4] =	stream.linear.gather @!p1 [hbm4b:s30+s0], $0x80, $0x38;
	[tilespmem:$0x1BE00] =	vst v63  }
0x6a: {  	_ =	swait.ge @!p1 [sflag:s9], $0x80  }
0x6b: {  	[sflag:s9] =	ssyncset.done @!p1 $0x0  }
0x6c: {  	s11 =	simm.s32 @!p1 $0x180;
	[sflag:s9] =	ssyncadd.s32 @!p1 $0xFFFFFF80  }
0x6d: {  	[tilespmem:s11], [sflag:$0x4] =	stream.linear.gather @!p1 [hbm4b:s29+s0], $0x80, $0x38;
	[tilespmem:$0x1BE00] =	vst v63  }
0x6e: {  	s31 =	sadd.s32 $0xFFFFFFFE, s28;
	_ =	swait.ge @!p1 [sflag:s9], $0x80  }
0x6f: {  	p3 =	sge.u32 s31, s7;
	[sflag:s9] =	ssyncset.done @!p1 $0x0  }
0x70: {  	s0 =	simm.s32 @!p1 $0x4200;
	[sflag:s9] =	ssyncadd.s32 @!p1 $0xFFFFFF80;
	s9 =	simm.s32 @!p3 $0x1  }
0x71: {  	[tilespmem:s0], [sflag:$0x2] =	stream.indirect.gather @!p1 [hbm4b:s4+s3], $0x80, s3, s3, $0xb8;
	[tilespmem:$0x1BE00] =	vst v63  }
0x72: {  	_ =	swait.ge @!p3 [sflag:s9], $0x4000  }
0x73: {  	s12 =	simm.s32 @!p3 $0x200;
	s21 =	simm.s32 @!p3 $0x80;
	[sflag:s9] =	ssyncset.done @!p3 $0x0  }
0x74: {  	s22 =	simm.s32 @!p3 $0x100;
	[sflag:s9] =	ssyncadd.s32 @!p3 $0xFFFFC000;
	s9 =	simm.s32 @!p3 $0x4  }
0x75: {  	[spmem:s1] =	stream.indirect.scatter.add.f32 @!p3 [tilespmem:s12], [sflag:$0x4], $0x80, s22, s21, $0xb8;
	[tilespmem:$0x1BE00] =	vst v63  }
0x76: {  	p2 =	sge.u32 s28, s7;
	_ =	swait.ge @!p3 [sflag:s9], $0x4000  }
0x77: {  	s12 =	sshrl.u32 @!p2 s26, $0x3;
	s22 =	simm.s32 @!p2 $0x0;
	[sflag:s9] =	ssyncset.done @!p3 $0x0  }
0x78: {  	s21 =	sadd.s32 @!p2 s5, s12;
	[sflag:s9] =	ssyncadd.s32 @!p3 $0xFFFFC000;
	s9 =	simm.s32 @!p2 $0x4  }
0x79: {  	[tilespmem:s22], [sflag:$0x4] =	stream.linear.gather @!p2 [hbm4b:s21+s22], $0x80, $0x38;
	[tilespmem:$0x1BE00] =	vst v63  }
0x7a: {  	_ =	swait.ge @!p2 [sflag:s9], $0x80  }
0x7b: {  	[sflag:s9] =	ssyncset.done @!p2 $0x0  }
0x7c: {  	s12 =	sadd.s32 @!p2 s6, s12;
	s21 =	simm.s32 @!p2 $0x100;
	[sflag:s9] =	ssyncadd.s32 @!p2 $0xFFFFFF80  }
0x7d: {  	[tilespmem:s21], [sflag:$0x4] =	stream.linear.gather @!p2 [hbm4b:s12+s22], $0x80, $0x38;
	[tilespmem:$0x1BE00] =	vst v63  }
0x7e: {  	_ =	swait.ge @!p2 [sflag:s9], $0x80  }
0x7f: {  	s23 =	simm.s32 @!p1 $0x2;
	[sflag:s9] =	ssyncset.done @!p2 $0x0  }
0x80: {  	s12 =	simm.s32 @!p2 $0x200;
	s21 =	simm.s32 @!p2 $0x80;
	[sflag:s9] =	ssyncadd.s32 @!p2 $0xFFFFFF80  }
0x81: {  	[tilespmem:s12], [sflag:$0x1] =	stream.indirect.gather @!p2 [hbm4b:s4+s21], $0x80, s22, s21, $0xb8;
	[tilespmem:$0x1BE00] =	vst v63  }
0x82: {  	_ =	swait.ge @!p1 [sflag:s23], $0x4000  }
0x83: {  	[sflag:s23] =	ssyncset.done @!p1 $0x0  }
0x84: {  	s9 =	simm.s32 @!p1 $0x3;
	[sflag:s23] =	ssyncadd.s32 @!p1 $0xFFFFC000  }
0x85: {  	[spmem:s1] =	stream.indirect.scatter.add.f32 @!p1 [tilespmem:s0], [sflag:$0x3], $0x80, s11, s3, $0xb8;
	[tilespmem:$0x1BE00] =	vst v63  }
0x86: {  	_ =	swait.ge @!p1 [sflag:s9], $0x4000  }
0x87: {  	[sflag:s9] =	ssyncset.done @!p1 $0x0  }
0x88: {  	[sflag:s9] =	ssyncadd.s32 @!p1 $0xFFFFC000  }
0x89: {  	s0 =	simm.s32 @p0 $0x3;
	[bflag:$0x0] =	sbarrier.arrive $0xFFFF  }
0x8a: {  	[hbm:s14], [sflag:s10] =	dma.local @p0 [spmem:s24], $0x2080  }
0x8b: {  	_ =	swait.ge @p0 [sflag:s0], $0x2080  }
0x8c: {  	s25 =	sadd.s32 $0x1, s25;
	[sflag:s0] =	ssyncset.done @p0 $0x0  }
0x8d: {  	p1 =	sne.s32 s25, s15;
	[sflag:s0] =	ssyncadd.s32 @p0 $0xFFFFDF80;
	s0 =	sshrl.u32 @!p0 s8, $0x3  }
0x8e: {  	[hbm:s13], [sflag:s10] =	dma.local @!p0 [spmem:s0], $0x2780  }
.Ltmp1:
0x8f: {  	_ = 	snop;
	(pc) =	sbr.rel @p1 .LBB2_1-.Ltmp1, $4  }
0x90: {  	s0 =	simm.s32 @!p0 $0x3  }
0x91: {  	_ =	swait.ge @!p0 [sflag:s0], $0x2780  }
0x92: {  	[sflag:s0] =	ssyncset.done @!p0 $0x0  }
0x93: {  	[sflag:s0] =	ssyncadd.s32 @!p0 $0xFFFFD880  }
0x94: {  	_ =	sfence.sel $0x180000  }
0x95: {  	[bflag:$0x0] =	sbarrier.arrive $0xFFFF  }
0x96: {  	_ =	strace $0x9000004D  }
0x97: {  	s0 =	stileid.u32;
	[bflag:$0x2] =	sbarrier.arrive $0xFFFF  }
0x98: {  	p0 =	sne.s32 s0, $0x0;
	s0 =	rddreg [dreg:$0x2]  }
0x99: {  	s0 =	sadd.s32 @!p0 $0x100000, s0  }
0x9a: {  	[sflag:s0] =	ssyncadd.tile.s32 @!p0 $0x1;
	_ =	shalt  }
.Lfunc_end2:
_tile_overlayer_lowered:
.L_overlay_start_2:
0x9b: {  	(tag) =	ssettag $0x2  }
0x9c: {  	s0 =	rddreg [dreg:$0x0];
	s2 =	stileid.u32  }
0x9d: {  	s1 =	rddreg [dreg:$0x1];
	p0 =	sne.s32 s2, $0x0  }
0x9e: {  	s3 =	rddreg [dreg:$0x2];
	[bflag:$0x3] =	sbarrier.arrive $0xFFFF;
	s2 =	simm.s32 @!p0 $0x1C03  }
0x9f: {  	[timem:s3], [sflag:s2] =	dma.local @!p0 [hbm:s0], s1  }
0xa0: {  	s0 =	simm.s32 @!p0 $0x3  }
0xa1: {  	_ =	swait.ge @!p0 [sflag:s0], s1  }
0xa2: {  	s1 =	ssub.s32 @!p0 $0x0, s1;
	[sflag:s0] =	ssyncset.done @!p0 $0x0  }
0xa3: {  	[sflag:s0] =	ssyncadd.s32 @!p0 s1  }
0xa4: {  	[bflag:$0x3] =	sbarrier.arrive $0xFFFF  }
0xa5: {  	_ =	shalt  }

// kernel: kernel.8.cloned.1.call-start
scs
__scs_entry_jumppad:
0x0: {  	(pc) =	sbr.rel $0x88, $3  }
0x1: {  	(tag) =	ssettag $0x0;
	lr =	simm.s32 $0x1  }
0x2: {  	[smem:$0x3F9B] =	sst lr;
	_ =	strace $0xD0000000  }
0x3: {  	_ = 	snop  }
0x4: {  	_ = 	snop  }
0x5: {  	_ = 	snop  }
0x6: {  	_ = 	snop  }
0x7: {  	_ = 	snop  }
__scs_overlays_trampoline_lowered:
0x8: {  	[smem:$0x3FAA] =	sst s0  }
0x9: {  	[smem:$0x3FAB] =	sst s1  }
0xa: {  	[smem:$0x3FAC] =	sst s2  }
0xb: {  	[smem:$0x3FAD] =	sst s3  }
0xc: {  	[smem:$0x3FAE] =	sst s4  }
0xd: {  	[smem:$0x3FAF] =	sst s5  }
0xe: {  	[smem:$0x3FB0] =	sst s6  }
0xf: {  	[smem:$0x3FB1] =	sst s7  }
0x10: {  	[smem:$0x3FB2] =	sst s8  }
0x11: {  	[smem:$0x3FB3] =	sst s9;
	s0 =	simm.s32 @!p0 $0x0  }
0x12: {  	s1 =	sld [smem:$0x3F99];
	s0 =	simm.s32 @p0 $0x1  }
0x13: {  	[smem:$0x3FB4] =	sst s0;
	s0 =	simm.s32 @!p1 $0x0  }
0x14: {  	s2 =	sld [smem:$0x3F98];
	s0 =	simm.s32 @p1 $0x1  }
0x15: {  	[smem:$0x3FB5] =	sst s0;
	s0 =	simm.s32 @!p2 $0x0  }
0x16: {  	s3 =	sld [smem:$0x3FDB];
	s0 =	simm.s32 @p2 $0x1  }
0x17: {  	s4 =	simm.s32 $0x1BF5;
	[smem:$0x3FB7] =	sst s0  }
0x18: {  	s0 =	sld [smem:$0x3F9A];
	_ =	swait.ge [sflag:s4], $0x0  }
0x19: {  	s7 =	sld [smem:$0x3F9B]  }
0x1a: {  	s8 =	sadd.s32 $0xFFFFE003, lr  }
0x1b: {  	s9 =	sadd.s32 $0xFFFFFEF7, lr;
	s5 =	simm.s32 $0xFFFFFFFF;
	p2 =	slt.u32 s8, $0xFFFFF086  }
0x1c: {  	p1 =	slt.u32 s9, $0xF7A;
	s5 =	simm.s32 @!p2 $0x0  }
0x1d: {  	s5 =	simm.s32 @p1 $0x1;
	p0 =	seq.s32 s7, s2  }
0x1e: {  	s7 =	smul.u32 @!p0 $0xF7A, s2;
	p2 =	seq.s32 @!p0 s5, $0x0  }
0x1f: {  	s9 =	smul.u32 $0xF7A, s1;
	s8 =	simm.s32 @!p0 $0x1BF5;
	p2 =	por !p2, p0  }
0x20: {  	[sflag:s8] =	ssyncset.s32 @!p0 $0xFFFFF086;
	s6 =	sadd.s32 @!p0 s3, s7;
	s7 =	simm.s32 @!p0 $0x108  }
0x21: {  	s3 =	sadd.s32 s3, s9;
	s6 =	sadd.s32 @!p0 $0x88, s6;
	s7 =	simm.s32 @p2 $0x1082  }
0x22: {  	[simem:s7], [sflag:s8] =	dma.local @!p0 [hbm:s6], $0xF7A  }
0x23: {  	s9 =	sor.u32 $0xD0000000, s2;
	s6 =	simm.s32 $0x108;
	_ =	swait.ge @!p0 [sflag:s8], $0x0  }
0x24: {  	s3 =	sadd.s32 $0x88, s3;
	s6 =	simm.s32 @!p1 $0x1082;
	[sflag:s4] =	ssyncset.s32 $0xFFFFF086  }
0x25: {  	[simem:s6], [sflag:s4] =	dma.local [hbm:s3], $0xF7A  }
0x26: {  	[smem:$0x3F9B] =	sst s1;
	(tag) =	ssettag s2;
	_ =	strace s9  }
0x27: {  	s1 =	sld [smem:$0x3FAB]  }
0x28: {  	s2 =	sld [smem:$0x3FAC]  }
0x29: {  	s4 =	sld [smem:$0x3FAE]  }
0x2a: {  	p0 =	seq.s32 s5, $0x0;
	s5 =	sld [smem:$0x3FAF]  }
0x2b: {  	s6 =	sld [smem:$0x3FB0]  }
0x2c: {  	s7 =	sld [smem:$0x3FB1]  }
0x2d: {  	s3 =	simm.s32 $0x108;
	s8 =	sld [smem:$0x3FB2]  }
0x2e: {  	s3 =	simm.s32 @!p0 $0x1082;
	s9 =	sld [smem:$0x3FB3]  }
0x2f: {  	lr =	sadd.s32 s0, s3;
	s0 =	sld [smem:$0x3FAA]  }
0x30: {  	s3 =	sld [smem:$0x3FAD]  }
0x31: {  	[smem:$0x3FB6] =	sst s10  }
0x32: {  	s10 =	sld [smem:$0x3FB4];
	_ =	sdelay $0x3  }
0x33: {  	p0 =	seq.s32 s10, $0x1;
	s10 =	sld [smem:$0x3FB6];
	_ =	sdelay $0x3  }
0x34: {  	[smem:$0x3FB6] =	sst s10  }
0x35: {  	s10 =	sld [smem:$0x3FB5];
	_ =	sdelay $0x3  }
0x36: {  	p1 =	seq.s32 s10, $0x1;
	s10 =	sld [smem:$0x3FB6];
	_ =	sdelay $0x3  }
0x37: {  	[smem:$0x3FB6] =	sst s10  }
0x38: {  	s10 =	sld [smem:$0x3FB7]  }
0x39: {  	_ = 	snop;
	(pc) =	sbr.ind lr, $3  }
0x3a: {  	_ = 	snop  }
0x3b: {  	_ = 	snop  }
0x3c: {  	p2 =	seq.s32 s10, $0x1;
	s10 =	sld [smem:$0x3FB6]  }
0x3d: {  	_ =	shalt  }
0x3e: {  	_ =	shalt  }
0x3f: {  	_ =	shalt  }
0x40: {  	_ =	shalt  }
0x41: {  	_ =	shalt  }
0x42: {  	_ =	shalt  }
0x43: {  	_ =	shalt  }
0x44: {  	_ =	shalt  }
0x45: {  	_ =	shalt  }
0x46: {  	_ =	shalt  }
0x47: {  	_ =	shalt  }
0x48: {  	_ =	shalt  }
0x49: {  	_ =	shalt  }
0x4a: {  	_ =	shalt  }
0x4b: {  	_ =	shalt  }
0x4c: {  	_ =	shalt  }
0x4d: {  	_ =	shalt  }
0x4e: {  	_ =	shalt  }
0x4f: {  	_ =	shalt  }
0x50: {  	_ =	shalt  }
0x51: {  	_ =	shalt  }
0x52: {  	_ =	shalt  }
0x53: {  	_ =	shalt  }
0x54: {  	_ =	shalt  }
0x55: {  	_ =	shalt  }
0x56: {  	_ =	shalt  }
0x57: {  	_ =	shalt  }
0x58: {  	_ =	shalt  }
0x59: {  	_ =	shalt  }
0x5a: {  	_ =	shalt  }
0x5b: {  	_ =	shalt  }
0x5c: {  	_ =	shalt  }
0x5d: {  	_ =	shalt  }
0x5e: {  	_ =	shalt  }
0x5f: {  	_ =	shalt  }
0x60: {  	_ =	shalt  }
0x61: {  	_ =	shalt  }
0x62: {  	_ =	shalt  }
0x63: {  	_ =	shalt  }
0x64: {  	_ =	shalt  }
0x65: {  	_ =	shalt  }
0x66: {  	_ =	shalt  }
0x67: {  	_ =	shalt  }
0x68: {  	_ =	shalt  }
0x69: {  	_ =	shalt  }
0x6a: {  	_ =	shalt  }
0x6b: {  	_ =	shalt  }
0x6c: {  	_ =	shalt  }
0x6d: {  	_ =	shalt  }
0x6e: {  	_ =	shalt  }
0x6f: {  	_ =	shalt  }
0x70: {  	_ =	shalt  }
0x71: {  	_ =	shalt  }
0x72: {  	_ =	shalt  }
0x73: {  	_ =	shalt  }
0x74: {  	_ =	shalt  }
0x75: {  	_ =	shalt  }
0x76: {  	_ =	shalt  }
0x77: {  	_ =	shalt  }
0x78: {  	_ =	shalt  }
0x79: {  	_ =	shalt  }
0x7a: {  	_ =	shalt  }
0x7b: {  	_ =	shalt  }
0x7c: {  	_ =	shalt  }
0x7d: {  	_ =	shalt  }
0x7e: {  	_ =	shalt  }
0x7f: {  	_ =	shalt  }
0x80: {  	_ =	shalt  }
0x81: {  	_ =	shalt  }
0x82: {  	_ =	shalt  }
0x83: {  	_ =	shalt  }
0x84: {  	_ =	shalt  }
0x85: {  	_ =	shalt  }
0x86: {  	_ =	shalt  }
0x87: {  	_ =	shalt  }
.Lfunc_end0:
.L_simem_size_0:
called_computation_lowered:
.L_overlay_start_0:
0x88: {  	s2 =	sld [smem:$0x3FD9]  }
0x89: {  	s3 =	sld [smem:$0x3FFE];
	_ =	sdelay $0x1  }
0x8a: {  	s1 =	srdreg.scid  }
0x8b: {  	s0 =	sand.u32 $0x1, s1  }
0x8c: {  	s17 =	sshll.u32 s0, $0xA;
	s2 =	sadd.s32 s3, s2  }
0x8d: {  	s2 =	sadd.s32 s2, s17  }
0x8e: {  	[smem:$0x3FC2] =	sst s2  }
0x8f: {  	_ = 	snop  }
0x90: {  	s2 =	sld [smem:$0x3FD0];
	(tm) =	ssettm $0x1  }
0x91: {  	s18 =	sld [smem:$0x3FFB];
	_ =	sdelay $0x3  }
0x92: {  	_ =	strace s18  }
0x93: {  	s3 =	sld [smem:$0x3FFC];
	_ =	sdelay $0x3  }
0x94: {  	_ =	strace s3  }
0x95: {  	s3 =	sld [smem:$0x3FFD];
	_ =	sdelay $0x3  }
0x96: {  	_ =	strace s3  }
0x97: {  	_ =	strace $0x8FFFFFFF  }
0x98: {  	s19 =	sld [smem:$0x3FDB];
	_ =	sdelay $0x1  }
0x99: {  	s4 =	simm.s32 $_scs_section_size  }
0x9a: {  	s5 =	simm.s32 $_size__tile_overlayer_lowered;
	s6 =	simm.s32 $_tile_overlayer_lowered  }
0x9b: {  	s22 =	simm.s32 $0x1BFF;
	s21 =	sshll.u32 s6, $0x1;
	s3 =	sadd.s32 s4, s19  }
0x9c: {  	s7 =	simm.s32 $0x0;
	s20 =	sshll.u32 s5, $0x1;
	s5 =	sadd.s32 s21, s3  }
0x9d: {  	[timem:s7], [sflag:s22] =	dma.local [hbm:s5], s20  }
0x9e: {  	_ =	swait.ge [sflag:s22], s20  }
0x9f: {  	s4 =	ssub.s32 $0x0, s20;
	[sflag:s22] =	ssyncset.done $0x0  }
0xa0: {  	[sflag:s22] =	ssyncadd.s32 s4;
	_ =	sdelay $0x1  }
0xa1: {  	s23 =	simm.s32 $0x1B8B  }
0xa2: {  	_ =	swait.ge [sflag:s23], $0x1  }
0xa3: {  	[sflag:s23] =	ssyncset.done $0x0  }
0xa4: {  	s25 =	simm.s32 $0x1B8E;
	s24 =	sld [smem:$0x3FFE];
	[sflag:s23] =	ssyncadd.s32 $0xFFFFFFFF  }
0xa5: {  	s26 =	simm.s32 $execute0_lowered;
	[smem:$0x3FD2] =	sst s25  }
0xa6: {  	s5 =	sshll.u32 s26, $0x1;
	_ =	strace $0x80000046;
	[dreg:$0x1] =	wrdreg $0xFFFFFFFF  }
0xa7: {  	s28 =	simm.s32 $_size_execute0_lowered;
	s3 =	sadd.s32 s3, s5;
	[dreg:$0x0] =	wrdreg $0x0  }
0xa8: {  	s5 =	sshll.u32 s28, $0x1;
	[dreg:$0x2] =	wrdreg s3  }
0xa9: {  	[dreg:$0x3] =	wrdreg s5  }
0xaa: {  	[dreg:$0x4] =	wrdreg $0xC0  }
0xab: {  	_ =	task [dreg:s7], $0x5FFFF  }
0xac: {  	[dreg:$0x1] =	wrdreg $0xFFFFFFFF  }
0xad: {  	[dreg:$0x0] =	wrdreg $0x60  }
0xae: {  	[dreg:$0x2] =	wrdreg s24  }
0xaf: {  	[dreg:$0x3] =	wrdreg s2  }
0xb0: {  	[dreg:$0x4] =	wrdreg $0x40800  }
0xb1: {  	[dreg:$0x5] =	wrdreg $0x9  }
0xb2: {  	_ =	task.clear_ibuf [dreg:s7], $0x6FFFF;
	_ =	strace $0x90000046  }
0xb3: {  	s29 =	simm.s32 $0x9;
	_ =	strace $0x80000048  }
0xb4: {  	_ =	swait.ge [sflag:s29], $0x1  }
0xb5: {  	[sflag:s29] =	ssyncadd.s32 $0xFFFFFFFF  }
0xb6: {  	_ =	strace $0x90000048  }
0xb7: {  	_ =	sfence  }
0xb8: {  	s30 =	sld [smem:$0x0];
	_ =	sdelay $0x2  }
0xb9: {  	s31 =	sshll.u32 s1, $0xD;
	s1 =	sshrl.u32 s1, $0x2  }
0xba: {  	s3 =	sand.u32 $0x4000, s31;
	s1 =	sadd.s32 s1, s30  }
0xbb: {  	s0 =	sor.u32 s3, s0;
	s1 =	sshll.u32 s1, $0x11  }
0xbc: {  	s0 =	sor.u32 s1, s0  }
0xbd: {  	s0 =	sadd.s32 $0x8F2B, s0  }
0xbe: {  	[sflag:s0] =	ssyncadd.remote.s32 $0x1  }
0xbf: {  	_ =	sfence.sel $0xFFFF  }
0xc0: {  	[dreg:$0x0] =	wrdreg $0xFFFFFFFF;
	(pc) =	sbr.abs _section_cstart, $3  }
0xc1: {  	[dreg:$0x1] =	wrdreg $0xFFFFFFFF  }
0xc2: {  	_ =	task.clear_ibuf [dreg:s7], $0x2FFFF;
	_ =	strace $0x9FFFFFFF  }
0xc3: {  	(tm) =	ssettm $0x7FFFFFFF  }
tec
execute0_lowered:
.L_overlay_start_1:
0x0: {  	(tag) =	ssettag $0x1  }
0x1: {  	s5 =	rddreg [dreg:$0x0]  }
0x2: {  	s1 =	rddreg [dreg:$0x1];
	s3 =	srdreg.scid  }
0x3: {  	s2 =	rddreg [dreg:$0x2];
	s6 =	sand.u32 $0x1, s3  }
0x4: {  	s3 =	stileid.u32;
	s7 =	smul.u32 $0x5000, s6  }
0x5: {  	s0 =	rddreg [dreg:$0x3];
	s4 =	simm.s32 $0x0;
	s8 =	smul.u32 $0x2780, s3  }
0x6: {  	s16 =	simm.s32 $0x0;
	[smem:$0x7FF] =	sst s4;
	s11 =	smul.u32 $0x4F000, s3  }
0x7: {  	s12 =	sadd.s32 $0x3D800, s5;
	s14 =	sadd.s32 $0x128400, s2;
	s13 =	smul.u32 $0x27100, s6  }
0x8: {  	_ =	strace $0x80000047;
	s10 =	ssub.s32 $0x2, s6;
	s6 =	smul.u32 $0x138800, s6  }
0x9: {  	s26 =	sshll.u32 s3, $0x6;
	s29 =	smul.u32 $0x500, s3;
	p0 =	seq.s32 s3, $0xF  }
0xa: {  	s24 =	sshrl.u32 s10, $0x1;
	s14 =	sshrl.u32 @p0 s14, $0x3;
	s9 =	sadd.s32 s7, s5  }
0xb: {  	s23 =	sadd.s32 s8, s5;
	s10 =	ssub.s32 s10, s24;
	s25 =	sshrl.u32 s11, $0x2  }
0xc: {  	s8 =	sadd.s32 s8, s13;
	s28 =	sshrl.u32 s6, $0x3;
	s6 =	sor.u32 $0x1C01, s26  }
0xd: {  	s13 =	simm.s32 $0x80;
	s15 =	sadd.s32 s25, s2;
	s5 =	sadd.s32 $0x16000, s23  }
0xe: {  	s7 =	sadd.s32 s12, s8;
	s30 =	sadd.s32 s12, s28;
	s31 =	sadd.s32 s29, s9  }
0xf: {  	s9 =	smax.u32 s10, $0x1;
	s12 =	simm.s32 $0x1;
	s8 =	sadd.s32 $0x25080, s30  }
0x10: {  	s10 =	sadd.s32 $0x2000, s31;
	s11 =	sshrl.u32 s15, $0x3;
	s15 =	sshrl.u32 @!p0 s15, $0x3  }
.LBB2_1:
0x11: {  	[spmem:s11], [sflag:s6] =	dma.local [hbm:s5], $0x2780  }
0x12: {  	_ =	swait.ge [sflag:s12], $0x2780  }
0x13: {  	[sflag:s12] =	ssyncset.done $0x0  }
0x14: {  	[sflag:s12] =	ssyncadd.s32 $0xFFFFD880  }
0x15: {  	[tilespmem:s13], [sflag:$0x1] =	stream.linear.gather [hbm4b:s1+s4], $0x4000, $0x38;
	[tilespmem:$0x17C80] =	vst v63  }
0x16: {  	_ =	swait.ge [sflag:s12], $0x4000  }
0x17: {  	[sflag:s12] =	ssyncset.done $0x0  }
0x18: {  	[sflag:s12] =	ssyncadd.s32 $0xFFFFC000  }
0x19: {  	s17 =	sadd.s32 $0x0, s10;
	[bflag:$0x0] =	sbarrier.arrive $0xFFFF  }
0x1a: {  	[tilespmem:s4], [sflag:$0x1] =	stream.linear.gather [hbm4b:s17+s4], $0x80, $0x38;
	[tilespmem:$0x17C80] =	vst v63  }
0x1b: {  	_ =	swait.ge [sflag:s12], $0x80  }
0x1c: {  	[sflag:s12] =	ssyncset.done $0x0  }
0x1d: {  	[sflag:s12] =	ssyncadd.s32 $0xFFFFFF80  }
0x1e: {  	[spmem:s2] =	stream.indirect.scatter.add.f32 [tilespmem:s13], [sflag:$0x1], $0x80, s4, s13, $0xb8;
	[tilespmem:$0x17C80] =	vst v63  }
0x1f: {  	_ =	swait.ge [sflag:s12], $0x4000  }
0x20: {  	s18 =	simm.s32 $0x20;
	s17 =	simm.s32 $0x10;
	[sflag:s12] =	ssyncset.done $0x0  }
.LBB2_2:
0x21: {  	s19 =	sadd.s32 s17, s10  }
0x22: {  	[sflag:s12] =	ssyncadd.s32 $0xFFFFC000;
	s17 =	smov.u32 s18;
	s20 =	sadd.s32 $0x10, s18  }
0x23: {  	[tilespmem:s4], [sflag:$0x1] =	stream.linear.gather [hbm4b:s19+s4], $0x80, $0x38;
	[tilespmem:$0x17C80] =	vst v63  }
0x24: {  	p1 =	sne.s32 s18, $0x4F0;
	_ =	swait.ge [sflag:s12], $0x80  }
.Ltmp0:
0x25: {  	[sflag:s12] =	ssyncset.done $0x0;
	(pc) =	sbr.rel @p1 .LBB2_2-.Ltmp0, $4  }
0x26: {  	[sflag:s12] =	ssyncadd.s32 $0xFFFFFF80  }
0x27: {  	[spmem:s2] =	stream.indirect.scatter.add.f32 [tilespmem:s13], [sflag:$0x1], $0x80, s4, s13, $0xb8;
	[tilespmem:$0x17C80] =	vst v63  }
0x28: {  	_ =	swait.ge [sflag:s12], $0x4000  }
0x29: {  	s18 =	smov.u32 s20;
	[sflag:s12] =	ssyncset.done $0x0  }
0x2a: {  	s17 =	sadd.s32 s17, s10;
	[sflag:s12] =	ssyncadd.s32 $0xFFFFC000  }
0x2b: {  	[tilespmem:s4], [sflag:$0x1] =	stream.linear.gather [hbm4b:s17+s4], $0x80, $0x38;
	[tilespmem:$0x17C80] =	vst v63  }
0x2c: {  	_ =	swait.ge [sflag:s12], $0x80  }
0x2d: {  	[sflag:s12] =	ssyncset.done $0x0  }
0x2e: {  	[sflag:s12] =	ssyncadd.s32 $0xFFFFFF80  }
0x2f: {  	[spmem:s2] =	stream.indirect.scatter.add.f32 [tilespmem:s13], [sflag:$0x1], $0x80, s4, s13, $0xb8;
	[tilespmem:$0x17C80] =	vst v63  }
0x30: {  	_ =	swait.ge [sflag:s12], $0x4000  }
0x31: {  	[sflag:s12] =	ssyncset.done $0x0  }
0x32: {  	[sflag:s12] =	ssyncadd.s32 $0xFFFFC000  }
0x33: {  	s17 =	simm.s32 @p0 $0x1;
	[bflag:$0x0] =	sbarrier.arrive $0xFFFF  }
0x34: {  	[hbm:s8], [sflag:s6] =	dma.local @p0 [spmem:s14], $0x2080  }
0x35: {  	s16 =	sadd.s32 $0x1, s16;
	_ =	swait.ge @p0 [sflag:s17], $0x2080  }
0x36: {  	p1 =	sne.s32 s16, s9;
	[sflag:s17] =	ssyncset.done @p0 $0x0  }
.Ltmp1:
0x37: {  	[sflag:s17] =	ssyncadd.s32 @p0 $0xFFFFDF80;
	s17 =	simm.s32 @!p0 $0x1;
	(pc) =	sbr.rel @p1 .LBB2_1-.Ltmp1, $4  }
0x38: {  	[hbm:s7], [sflag:s6] =	dma.local @!p0 [spmem:s15], $0x2780  }
0x39: {  	_ =	swait.ge @!p0 [sflag:s17], $0x2780  }
0x3a: {  	[sflag:s17] =	ssyncset.done @!p0 $0x0  }
0x3b: {  	[sflag:s17] =	ssyncadd.s32 @!p0 $0xFFFFD880  }
0x3c: {  	_ =	sfence.sel $0x180000  }
0x3d: {  	[bflag:$0x0] =	sbarrier.arrive $0xFFFF  }
0x3e: {  	p0 =	sne.s32 s3, $0x0;
	_ =	strace $0x90000047  }
0x3f: {  	s0 =	sadd.s32 @!p0 $0x100000, s0;
	[bflag:$0x2] =	sbarrier.arrive $0xFFFF  }
0x40: {  	[sflag:s0] =	ssyncadd.tile.s32 @!p0 $0x1;
	_ =	shalt  }
.Lfunc_end2:
_tile_overlayer_lowered:
.L_overlay_start_2:
0x41: {  	(tag) =	ssettag $0x2  }
0x42: {  	s0 =	rddreg [dreg:$0x0];
	s2 =	stileid.u32  }
0x43: {  	s1 =	rddreg [dreg:$0x1];
	p0 =	sne.s32 s2, $0x0  }
0x44: {  	s3 =	rddreg [dreg:$0x2];
	[bflag:$0x3] =	sbarrier.arrive $0xFFFF;
	s2 =	simm.s32 @!p0 $0x1C01  }
0x45: {  	[timem:s3], [sflag:s2] =	dma.local @!p0 [hbm:s0], s1  }
0x46: {  	s0 =	simm.s32 @!p0 $0x1  }
0x47: {  	_ =	swait.ge @!p0 [sflag:s0], s1  }
0x48: {  	s1 =	ssub.s32 @!p0 $0x0, s1;
	[sflag:s0] =	ssyncset.done @!p0 $0x0  }
0x49: {  	[sflag:s0] =	ssyncadd.s32 @!p0 s1  }
0x4a: {  	[bflag:$0x3] =	sbarrier.arrive $0xFFFF  }
0x4b: {  	_ =	shalt  }

</sc_bundles>
